<compile_context>
chip_gen: v7x
topology: tpu7x:2x2x1
jax: 0.10.2.dev20260603
libtpu: 0.0.44.dev20260713+nightly
codegen_flags: <defaults>
</compile_context>

<pallas_src>
import functools

import jax
import jax.numpy as jnp
from jax import lax
from jax.experimental import pallas as pl
from jax.experimental.pallas import tpu as pltpu
from jax.experimental.pallas import tpu_sc as plsc

KNN = 20
EPS = 1e-5
_PAD = 16
_KPAD = 32
_RB = 512
_GB = 4096
_NSC_WORKERS = 32


def _topk_body(xr, xf, out_ref):
    b = pl.program_id(0)
    n = xf.shape[1]
    xblk = xr[0]
    xfull = xf[0]
    g = lax.dot_general(xblk, xfull, (((1,), (1,)), ((), ())),
                        preferred_element_type=jnp.float32)
    xxr = jnp.sum(xblk * xblk, axis=1, keepdims=True)
    xxf = jnp.sum(xfull * xfull, axis=1, keepdims=True)
    inner = -2.0 * g
    pd = (-xxr) - inner
    pd = pd - xxf.T
    iota = lax.broadcasted_iota(jnp.int32, pd.shape, 1)
    rb = pd.shape[0]
    rowv = pl.program_id(1) * rb + lax.broadcasted_iota(jnp.int32, (rb, 1), 0)
    out_ref[0, :, 0] = rowv[:, 0] + b * n
    pd = jnp.where(iota == rowv, -3e38, pd)
    for r in range(1, KNN):
        m = jnp.max(pd, axis=1, keepdims=True)
        eq = pd == m
        col = jnp.min(jnp.where(eq, iota, n), axis=1)
        out_ref[0, :, r] = col + b * n
        pd = jnp.where(iota == col[:, None], -3e38, pd)


def _topk(xp):
    bsz, n, _ = xp.shape
    rb = min(_RB, n)
    return pl.pallas_call(
        _topk_body,
        grid=(bsz, n // rb),
        in_specs=[
            pl.BlockSpec((1, rb, _PAD), lambda b, r: (b, r, 0)),
            pl.BlockSpec((1, n, _PAD), lambda b, r: (b, 0, 0)),
        ],
        out_specs=pl.BlockSpec((1, rb, _KPAD), lambda b, r: (b, r, 0)),
        out_shape=jax.ShapeDtypeStruct((bsz, n, _KPAD), jnp.int32),
    )(xp, xp)


def _pick_chunk(rows_per_w):
    max_rows = (256 * 1024) // (_PAD * 4)
    ch = rows_per_w
    while ch > max_rows or ch % 8:
        for div in range(2, rows_per_w + 1):
            if rows_per_w % div == 0 and rows_per_w // div <= max_rows:
                ch = rows_per_w // div
                break
        else:
            ch = rows_per_w
            break
        break
    return ch


def _sc_gather(table, idx_all):
    nidx = idx_all.shape[0]
    rows_per_w = nidx // _NSC_WORKERS
    ch = _pick_chunk(rows_per_w)
    chunks = rows_per_w // ch
    mesh = plsc.VectorSubcoreMesh(core_axis_name="c", subcore_axis_name="s")

    @functools.partial(
        pl.kernel,
        out_type=jax.ShapeDtypeStruct((nidx, _PAD), jnp.float32),
        mesh=mesh,
        compiler_params=pltpu.CompilerParams(use_tc_tiling_on_sc=False),
        scratch_types=[
            pltpu.VMEM((ch,), jnp.int32),
            pltpu.VMEM((ch, _PAD), jnp.float32),
            pltpu.SemaphoreType.DMA,
        ],
    )
    def _gather_kernel(table_hbm, idx_hbm, out_hbm, idx_v, rows_v, sem):
        wid = lax.axis_index("s") * 2 + lax.axis_index("c")
        for j in range(chunks):
            base = wid * rows_per_w + j * ch
            pltpu.sync_copy(idx_hbm.at[pl.ds(base, ch)], idx_v)
            pltpu.async_copy(table_hbm.at[idx_v], rows_v, sem).wait()
            pltpu.sync_copy(rows_v, out_hbm.at[pl.ds(base, ch)])

    return _gather_kernel(table, idx_all)


def _affine(s, stats_ref, g_ref, bb_ref, npos):
    mean = stats_ref[0:1, :] / npos
    var = stats_ref[1:2, :] / npos - mean * mean
    return (s - mean) / jnp.sqrt(var + EPS) * g_ref[0:1, :] + bb_ref[0:1, :]


def _acc_stats(stats_ref, s, first):
    @pl.when(first)
    def _():
        stats_ref[...] = jnp.zeros_like(stats_ref)

    stats_ref[0:1, :] += jnp.sum(s, axis=0, keepdims=True)
    stats_ref[1:2, :] += jnp.sum(s * s, axis=0, keepdims=True)


def _mm(a, w):
    return lax.dot_general(a, w, (((1,), (1,)), ((), ())),
                           preferred_element_type=jnp.float32)


def _make_pass_body(stage, npos):
    def body(*refs):
        ctr, nb, w1, b1 = refs[:4]
        c = ctr[...]
        x2 = jnp.concatenate([c, nb[...] - c], axis=1)
        s = _mm(x2, w1[...]) + b1[0:1, :]
        i = 4
        for _layer in range(2, stage + 1):
            st, g, bb, w, bvec = refs[i:i + 5]
            i += 5
            h = jnp.maximum(_affine(s, st, g, bb, npos), 0.0)
            s = _mm(h, w[...]) + bvec[0:1, :]
        if stage < 4:
            _acc_stats(refs[-1], s, pl.program_id(0) == 0)
        else:
            stats_ref, m_ref = refs[-2], refs[-1]
            k = pl.program_id(1)
            _acc_stats(stats_ref, s, (pl.program_id(0) == 0) & (k == 0))

            @pl.when(k == 0)
            def _():
                m_ref[...] = s

            @pl.when(k != 0)
            def _():
                m_ref[...] = jnp.maximum(m_ref[...], s)
    return body


def _run_pass(stage, table, nbk, wlist, npos):
    npts = npos // KNN
    gb_sz = min(_GB, npts)
    gpk = npts // gb_sz
    cdims = [64, 64, 128, 128]
    cs = cdims[stage - 1]
    full = lambda a: pl.BlockSpec(a.shape, lambda *i: tuple(0 for _ in a.shape))
    if stage < 4:
        grid = (npos // gb_sz,)
        ctr_spec = pl.BlockSpec((gb_sz, _PAD), lambda i: (i % gpk, 0))
        nb_spec = pl.BlockSpec((gb_sz, _PAD), lambda i: (i, 0))
        out_specs = pl.BlockSpec((8, cs), lambda i: (0, 0))
        out_shape = jax.ShapeDtypeStruct((8, cs), jnp.float32)
    else:
        grid = (gpk, KNN)
        ctr_spec = pl.BlockSpec((gb_sz, _PAD), lambda gb, k: (gb, 0))
        nb_spec = pl.BlockSpec((gb_sz, _PAD), lambda gb, k: (k * gpk + gb, 0))
        out_specs = [pl.BlockSpec((8, cs), lambda gb, k: (0, 0)),
                     pl.BlockSpec((gb_sz, cs), lambda gb, k: (gb, 0))]
        out_shape = [jax.ShapeDtypeStruct((8, cs), jnp.float32),
                     jax.ShapeDtypeStruct((npts, cs), jnp.float32)]
    return pl.pallas_call(
        _make_pass_body(stage, float(npos)),
        grid=grid,
        in_specs=[ctr_spec, nb_spec] + [full(w) for w in wlist],
        out_specs=out_specs,
        out_shape=out_shape,
    )(table, nbk, *wlist)


def _final_body(m_ref, st_ref, g_ref, bb_ref, out_ref, *, npos):
    val = _affine(m_ref[...], st_ref, g_ref, bb_ref, npos)
    out_ref[0] = val.T


def _finalize(m, stats4, g4, bb4, bsz, n, npos):
    c = m.shape[1]
    nj = n // 128
    return pl.pallas_call(
        functools.partial(_final_body, npos=float(npos)),
        grid=(bsz, nj),
        in_specs=[
            pl.BlockSpec((128, c), lambda b, j: (b * nj + j, 0)),
            pl.BlockSpec((8, c), lambda b, j: (0, 0)),
            pl.BlockSpec((1, c), lambda b, j: (0, 0)),
            pl.BlockSpec((1, c), lambda b, j: (0, 0)),
        ],
        out_specs=pl.BlockSpec((1, c, 128), lambda b, j: (b, 0, j)),
        out_shape=jax.ShapeDtypeStruct((bsz, c, n), jnp.float32),
    )(m, stats4, g4, bb4)


def kernel(x, W1, b1, g1, bb1, W2, b2, g2, bb2, W3, b3, g3, bb3,
           W4, b4, g4, bb4):
    bsz, n, _ = x.shape
    npos = bsz * n * KNN
    xp = jnp.pad(x, ((0, 0), (0, 0), (0, _PAD - 3)))
    idx = _topk(xp)
    neigh = idx[:, :, :KNN].reshape(bsz * n, KNN).T.reshape(-1)
    table = xp.reshape(bsz * n, _PAD)
    nbk = _sc_gather(table, neigh)

    pad16 = lambda w: jnp.pad(w, ((0, 0), (0, _PAD - w.shape[1])))
    w1cat = jnp.concatenate([pad16(W1[:, :3]), pad16(W1[:, 3:])], axis=1)
    row = lambda v: v.reshape(1, -1)

    base = [w1cat, row(b1)]
    st1 = _run_pass(1, table, nbk, base, npos)
    l2 = base + [st1, row(g1), row(bb1), W2, row(b2)]
    st2 = _run_pass(2, table, nbk, l2, npos)
    l3 = l2 + [st2, row(g2), row(bb2), W3, row(b3)]
    st3 = _run_pass(3, table, nbk, l3, npos)
    l4 = l3 + [st3, row(g3), row(bb3), W4, row(b4)]
    st4, m = _run_pass(4, table, nbk, l4, npos)
    return _finalize(m, st4, row(g4), row(bb4), bsz, n, npos)

# --- scband reference (transcript-rebuilt; emitter-appended) ---
"""Pipeline reference for scband-dgcnnfeature-extractor-60619168416155 (READ-ONLY COPY).

The authoritative reference and input builder live on the scoring server;
editing this copy changes nothing except your own understanding.
"""

import jax, jax.numpy as jnp
import numpy as np

K = 20
FDIM = 128

def setup_inputs(seed: int = 0) -> dict:
    key = jax.random.key(seed)
    ks = jax.random.split(key, 20)
    x = jax.random.normal(ks[0], (8, 2048, 3), dtype=jnp.float32)
    dims = [(64, 6), (64, 64), (128, 64), (FDIM, 128)]
    inp = {"x": x}
    for i, (o, c) in enumerate(dims):
        inp[f"W{i+1}"] = jax.random.normal(ks[1 + 4 * i], (o, c), dtype=jnp.float32) * (1.0 / np.sqrt(c))
        inp[f"b{i+1}"] = jnp.zeros((o,), dtype=jnp.float32)
        inp[f"g{i+1}"] = jnp.ones((o,), dtype=jnp.float32)
        inp[f"bb{i+1}"] = jnp.zeros((o,), dtype=jnp.float32)
    return inp

def _bn(x, g, b, eps=1e-5):
    m = jnp.mean(x, axis=(0, 2, 3), keepdims=True)
    v = jnp.var(x, axis=(0, 2, 3), keepdims=True)
    return (x - m) / jnp.sqrt(v + eps) * g[None, :, None, None] + b[None, :, None, None]

def _conv(x, W, b):
    return jnp.einsum('oc,bcnk->bonk', W, x) + b[None, :, None, None]

def _forward(x, W1, b1, g1, bb1, W2, b2, g2, bb2, W3, b3, g3, bb3, W4, b4, g4, bb4):
    # knn: pairwise_distance = -||xi - xj||^2, top-k largest -> nearest neighbors (incl. self)
    inner = -2.0 * jnp.einsum('bnd,bmd->bnm', x, x)
    xx = jnp.sum(x ** 2, axis=2, keepdims=True)
    pd = -xx - inner - jnp.swapaxes(xx, 1, 2)
    _, idx = jax.lax.top_k(pd, K)  # [B, N, K]
    # edge features
    nb = jax.vmap(lambda xb, ib: xb[ib])(x, idx)  # [B, N, K, 3]
    xe = jnp.broadcast_to(x[:, :, None, :], nb.shape)
    ef = jnp.concatenate([xe, nb - xe], axis=-1)  # [B, N, K, 6]
    ef = jnp.transpose(ef, (0, 3, 1, 2))  # [B, 6, N, K]
    h = jax.nn.relu(_bn(_conv(ef, W1, b1), g1, bb1))
    h = jax.nn.relu(_bn(_conv(h, W2, b2), g2, bb2))
    h = jax.nn.relu(_bn(_conv(h, W3, b3), g3, bb3))
    h = _bn(_conv(h, W4, b4), g4, bb4)
    return jnp.max(h, axis=-1)  # [B, FDIM, N]

def reference(x, W1, b1, g1, bb1, W2, b2, g2, bb2, W3, b3, g3, bb3, W4, b4, g4, bb4):
    return _forward(x, W1, b1, g1, bb1, W2, b2, g2, bb2, W3, b3, g3, bb3, W4, b4, g4, bb4)

if __name__ == "__main__":
    import jax
    _d = setup_inputs()
    print(jax.jit(kernel)(*tuple(_d.values())))

</pallas_src>

<mosaic_0001>
#map = affine_map<(d0, d1) -> (0, 0)>
#map1 = affine_map<(d0, d1) -> (0)>
module attributes {stable_mosaic.version = 14 : i64} {
  func.func @_gather_kernel(%arg0: i32, %arg1: i32, %arg2: memref<16384x16xf32, #tpu.memory_space<hbm>>, %arg3: memref<327680xi32, #tpu.memory_space<hbm>>, %arg4: memref<327680x16xf32, #tpu.memory_space<hbm>>, %arg5: memref<2560xi32, #tpu.memory_space<vmem>>, %arg6: memref<2560x16xf32, #tpu.memory_space<vmem>>, %arg7: memref<!tpu.dma_semaphore, #tpu.memory_space<semaphore_mem>>) attributes {dimension_semantics = [#tpu.dimension_semantics<core_parallel>, #tpu.dimension_semantics<subcore_parallel>], iteration_bounds = array<i64: 2, 16>, scalar_prefetch = 0 : i64, scratch_operands = 3 : i64, tpu.core_type = #tpu.core_type<sc_vector_subcore>, window_params = [{transform_indices = #map}, {transform_indices = #map1}, {transform_indices = #map}]} {
    %mul3A = arith.constant 2 : i32
    %mul3A_0 = arith.muli %arg1, %mul3A : i32
    %add3A = arith.addi %mul3A_0, %arg0 : i32
    %mul3A_1 = arith.constant 10240 : i32
    %mul3A_2 = arith.muli %add3A, %mul3A_1 : i32
    %add3A_3 = arith.constant 0 : i32
    %add3A_4 = arith.addi %mul3A_2, %add3A_3 : i32
    "tpu.region"() ({
      %run_scoped3A = tpu.sem_alloc : memref<!tpu.dma_semaphore, #tpu.memory_space<semaphore_mem>>
      %dma_start3A_39 = tpu.memref_slice %arg3[%add3A_4] : memref<327680xi32, #tpu.memory_space<hbm>> -> memref<2560xi32, #tpu.memory_space<hbm>>
      %dma_start3A_40 = tpu.memref_slice %arg3[%add3A_4] : memref<327680xi32, #tpu.memory_space<hbm>> -> memref<2560xi32, #tpu.memory_space<hbm>>
      tpu.enqueue_dma source(%dma_start3A_40 : memref<2560xi32, #tpu.memory_space<hbm>>) target(%arg5 : memref<2560xi32, #tpu.memory_space<vmem>>) target_semaphore(%run_scoped3A : memref<!tpu.dma_semaphore, #tpu.memory_space<semaphore_mem>>)
      %dma_wait3A_41 = tpu.memref_slice %arg3[%add3A_4] : memref<327680xi32, #tpu.memory_space<hbm>> -> memref<2560xi32, #tpu.memory_space<hbm>>
      %dma_wait3A_42 = tpu.memref_slice %arg3[%add3A_4] : memref<327680xi32, #tpu.memory_space<hbm>> -> memref<2560xi32, #tpu.memory_space<hbm>>
      tpu.wait_dma2 semaphore(%run_scoped3A : memref<!tpu.dma_semaphore, #tpu.memory_space<semaphore_mem>>) src(%dma_wait3A_42 : memref<2560xi32, #tpu.memory_space<hbm>>) dst(%arg5 : memref<2560xi32, #tpu.memory_space<vmem>>)
      tpu.yield
    }) : () -> ()
    %dma_start3A = arith.constant 0 : i32
    %dma_start3A_5 = arith.constant 0 : i32
    %dma_start3A_6 = tpu.memref_slice %arg2[%dma_start3A, %dma_start3A_5] : memref<16384x16xf32, #tpu.memory_space<hbm>> -> memref<16384x16xf32, #tpu.memory_space<hbm>>
    tpu.enqueue_indirect_dma source(%dma_start3A_6 : memref<16384x16xf32, #tpu.memory_space<hbm>>) target(%arg6 : memref<2560x16xf32, #tpu.memory_space<vmem>>) offsets(%arg5 : memref<2560xi32, #tpu.memory_space<vmem>>) semaphore(%arg7 : memref<!tpu.dma_semaphore, #tpu.memory_space<semaphore_mem>>)
    %dma_wait3A = arith.constant 0 : i32
    %dma_wait3A_7 = arith.constant 0 : i32
    %dma_wait3A_8 = tpu.memref_slice %arg2[%dma_wait3A, %dma_wait3A_7] : memref<16384x16xf32, #tpu.memory_space<hbm>> -> memref<16384x16xf32, #tpu.memory_space<hbm>>
    tpu.wait_indirect_dma semaphore(%arg7 : memref<!tpu.dma_semaphore, #tpu.memory_space<semaphore_mem>>) src(%dma_wait3A_8 : memref<16384x16xf32, #tpu.memory_space<hbm>>) dst(%arg6 : memref<2560x16xf32, #tpu.memory_space<vmem>>)
    "tpu.region"() ({
      %run_scoped3A = tpu.sem_alloc : memref<!tpu.dma_semaphore, #tpu.memory_space<semaphore_mem>>
      %dma_start3A_39 = arith.constant 0 : i32
      %dma_start3A_40 = tpu.memref_slice %arg4[%add3A_4, %dma_start3A_39] : memref<327680x16xf32, #tpu.memory_space<hbm>> -> memref<2560x16xf32, #tpu.memory_space<hbm>>
      %dma_start3A_41 = arith.constant 0 : i32
      %dma_start3A_42 = tpu.memref_slice %arg4[%add3A_4, %dma_start3A_41] : memref<327680x16xf32, #tpu.memory_space<hbm>> -> memref<2560x16xf32, #tpu.memory_space<hbm>>
      tpu.enqueue_dma source(%arg6 : memref<2560x16xf32, #tpu.memory_space<vmem>>) target(%dma_start3A_42 : memref<2560x16xf32, #tpu.memory_space<hbm>>) target_semaphore(%run_scoped3A : memref<!tpu.dma_semaphore, #tpu.memory_space<semaphore_mem>>)
      %dma_wait3A_43 = arith.constant 0 : i32
      %dma_wait3A_44 = tpu.memref_slice %arg4[%add3A_4, %dma_wait3A_43] : memref<327680x16xf32, #tpu.memory_space<hbm>> -> memref<2560x16xf32, #tpu.memory_space<hbm>>
      %dma_wait3A_45 = arith.constant 0 : i32
      %dma_wait3A_46 = tpu.memref_slice %arg4[%add3A_4, %dma_wait3A_45] : memref<327680x16xf32, #tpu.memory_space<hbm>> -> memref<2560x16xf32, #tpu.memory_space<hbm>>
      tpu.wait_dma2 semaphore(%run_scoped3A : memref<!tpu.dma_semaphore, #tpu.memory_space<semaphore_mem>>) src(%arg6 : memref<2560x16xf32, #tpu.memory_space<vmem>>) dst(%dma_wait3A_46 : memref<2560x16xf32, #tpu.memory_space<hbm>>)
      tpu.yield
    }) : () -> ()
    %mul3A_9 = arith.constant 10240 : i32
    %mul3A_10 = arith.muli %add3A, %mul3A_9 : i32
    %add3A_11 = arith.constant 2560 : i32
    %add3A_12 = arith.addi %mul3A_10, %add3A_11 : i32
    "tpu.region"() ({
      %run_scoped3A = tpu.sem_alloc : memref<!tpu.dma_semaphore, #tpu.memory_space<semaphore_mem>>
      %dma_start3A_39 = tpu.memref_slice %arg3[%add3A_12] : memref<327680xi32, #tpu.memory_space<hbm>> -> memref<2560xi32, #tpu.memory_space<hbm>>
      %dma_start3A_40 = tpu.memref_slice %arg3[%add3A_12] : memref<327680xi32, #tpu.memory_space<hbm>> -> memref<2560xi32, #tpu.memory_space<hbm>>
      tpu.enqueue_dma source(%dma_start3A_40 : memref<2560xi32, #tpu.memory_space<hbm>>) target(%arg5 : memref<2560xi32, #tpu.memory_space<vmem>>) target_semaphore(%run_scoped3A : memref<!tpu.dma_semaphore, #tpu.memory_space<semaphore_mem>>)
      %dma_wait3A_41 = tpu.memref_slice %arg3[%add3A_12] : memref<327680xi32, #tpu.memory_space<hbm>> -> memref<2560xi32, #tpu.memory_space<hbm>>
      %dma_wait3A_42 = tpu.memref_slice %arg3[%add3A_12] : memref<327680xi32, #tpu.memory_space<hbm>> -> memref<2560xi32, #tpu.memory_space<hbm>>
      tpu.wait_dma2 semaphore(%run_scoped3A : memref<!tpu.dma_semaphore, #tpu.memory_space<semaphore_mem>>) src(%dma_wait3A_42 : memref<2560xi32, #tpu.memory_space<hbm>>) dst(%arg5 : memref<2560xi32, #tpu.memory_space<vmem>>)
      tpu.yield
    }) : () -> ()
    %dma_start3A_13 = arith.constant 0 : i32
    %dma_start3A_14 = arith.constant 0 : i32
    %dma_start3A_15 = tpu.memref_slice %arg2[%dma_start3A_13, %dma_start3A_14] : memref<16384x16xf32, #tpu.memory_space<hbm>> -> memref<16384x16xf32, #tpu.memory_space<hbm>>
    tpu.enqueue_indirect_dma source(%dma_start3A_15 : memref<16384x16xf32, #tpu.memory_space<hbm>>) target(%arg6 : memref<2560x16xf32, #tpu.memory_space<vmem>>) offsets(%arg5 : memref<2560xi32, #tpu.memory_space<vmem>>) semaphore(%arg7 : memref<!tpu.dma_semaphore, #tpu.memory_space<semaphore_mem>>)
    %dma_wait3A_16 = arith.constant 0 : i32
    %dma_wait3A_17 = arith.constant 0 : i32
    %dma_wait3A_18 = tpu.memref_slice %arg2[%dma_wait3A_16, %dma_wait3A_17] : memref<16384x16xf32, #tpu.memory_space<hbm>> -> memref<16384x16xf32, #tpu.memory_space<hbm>>
    tpu.wait_indirect_dma semaphore(%arg7 : memref<!tpu.dma_semaphore, #tpu.memory_space<semaphore_mem>>) src(%dma_wait3A_18 : memref<16384x16xf32, #tpu.memory_space<hbm>>) dst(%arg6 : memref<2560x16xf32, #tpu.memory_space<vmem>>)
    "tpu.region"() ({
      %run_scoped3A = tpu.sem_alloc : memref<!tpu.dma_semaphore, #tpu.memory_space<semaphore_mem>>
      %dma_start3A_39 = arith.constant 0 : i32
      %dma_start3A_40 = tpu.memref_slice %arg4[%add3A_12, %dma_start3A_39] : memref<327680x16xf32, #tpu.memory_space<hbm>> -> memref<2560x16xf32, #tpu.memory_space<hbm>>
      %dma_start3A_41 = arith.constant 0 : i32
      %dma_start3A_42 = tpu.memref_slice %arg4[%add3A_12, %dma_start3A_41] : memref<327680x16xf32, #tpu.memory_space<hbm>> -> memref<2560x16xf32, #tpu.memory_space<hbm>>
      tpu.enqueue_dma source(%arg6 : memref<2560x16xf32, #tpu.memory_space<vmem>>) target(%dma_start3A_42 : memref<2560x16xf32, #tpu.memory_space<hbm>>) target_semaphore(%run_scoped3A : memref<!tpu.dma_semaphore, #tpu.memory_space<semaphore_mem>>)
      %dma_wait3A_43 = arith.constant 0 : i32
      %dma_wait3A_44 = tpu.memref_slice %arg4[%add3A_12, %dma_wait3A_43] : memref<327680x16xf32, #tpu.memory_space<hbm>> -> memref<2560x16xf32, #tpu.memory_space<hbm>>
      %dma_wait3A_45 = arith.constant 0 : i32
      %dma_wait3A_46 = tpu.memref_slice %arg4[%add3A_12, %dma_wait3A_45] : memref<327680x16xf32, #tpu.memory_space<hbm>> -> memref<2560x16xf32, #tpu.memory_space<hbm>>
      tpu.wait_dma2 semaphore(%run_scoped3A : memref<!tpu.dma_semaphore, #tpu.memory_space<semaphore_mem>>) src(%arg6 : memref<2560x16xf32, #tpu.memory_space<vmem>>) dst(%dma_wait3A_46 : memref<2560x16xf32, #tpu.memory_space<hbm>>)
      tpu.yield
    }) : () -> ()
    %mul3A_19 = arith.constant 10240 : i32
    %mul3A_20 = arith.muli %add3A, %mul3A_19 : i32
    %add3A_21 = arith.constant 5120 : i32
    %add3A_22 = arith.addi %mul3A_20, %add3A_21 : i32
    "tpu.region"() ({
      %run_scoped3A = tpu.sem_alloc : memref<!tpu.dma_semaphore, #tpu.memory_space<semaphore_mem>>
      %dma_start3A_39 = tpu.memref_slice %arg3[%add3A_22] : memref<327680xi32, #tpu.memory_space<hbm>> -> memref<2560xi32, #tpu.memory_space<hbm>>
      %dma_start3A_40 = tpu.memref_slice %arg3[%add3A_22] : memref<327680xi32, #tpu.memory_space<hbm>> -> memref<2560xi32, #tpu.memory_space<hbm>>
      tpu.enqueue_dma source(%dma_start3A_40 : memref<2560xi32, #tpu.memory_space<hbm>>) target(%arg5 : memref<2560xi32, #tpu.memory_space<vmem>>) target_semaphore(%run_scoped3A : memref<!tpu.dma_semaphore, #tpu.memory_space<semaphore_mem>>)
      %dma_wait3A_41 = tpu.memref_slice %arg3[%add3A_22] : memref<327680xi32, #tpu.memory_space<hbm>> -> memref<2560xi32, #tpu.memory_space<hbm>>
      %dma_wait3A_42 = tpu.memref_slice %arg3[%add3A_22] : memref<327680xi32, #tpu.memory_space<hbm>> -> memref<2560xi32, #tpu.memory_space<hbm>>
      tpu.wait_dma2 semaphore(%run_scoped3A : memref<!tpu.dma_semaphore, #tpu.memory_space<semaphore_mem>>) src(%dma_wait3A_42 : memref<2560xi32, #tpu.memory_space<hbm>>) dst(%arg5 : memref<2560xi32, #tpu.memory_space<vmem>>)
      tpu.yield
    }) : () -> ()
    %dma_start3A_23 = arith.constant 0 : i32
    %dma_start3A_24 = arith.constant 0 : i32
    %dma_start3A_25 = tpu.memref_slice %arg2[%dma_start3A_23, %dma_start3A_24] : memref<16384x16xf32, #tpu.memory_space<hbm>> -> memref<16384x16xf32, #tpu.memory_space<hbm>>
    tpu.enqueue_indirect_dma source(%dma_start3A_25 : memref<16384x16xf32, #tpu.memory_space<hbm>>) target(%arg6 : memref<2560x16xf32, #tpu.memory_space<vmem>>) offsets(%arg5 : memref<2560xi32, #tpu.memory_space<vmem>>) semaphore(%arg7 : memref<!tpu.dma_semaphore, #tpu.memory_space<semaphore_mem>>)
    %dma_wait3A_26 = arith.constant 0 : i32
    %dma_wait3A_27 = arith.constant 0 : i32
    %dma_wait3A_28 = tpu.memref_slice %arg2[%dma_wait3A_26, %dma_wait3A_27] : memref<16384x16xf32, #tpu.memory_space<hbm>> -> memref<16384x16xf32, #tpu.memory_space<hbm>>
    tpu.wait_indirect_dma semaphore(%arg7 : memref<!tpu.dma_semaphore, #tpu.memory_space<semaphore_mem>>) src(%dma_wait3A_28 : memref<16384x16xf32, #tpu.memory_space<hbm>>) dst(%arg6 : memref<2560x16xf32, #tpu.memory_space<vmem>>)
    "tpu.region"() ({
      %run_scoped3A = tpu.sem_alloc : memref<!tpu.dma_semaphore, #tpu.memory_space<semaphore_mem>>
      %dma_start3A_39 = arith.constant 0 : i32
      %dma_start3A_40 = tpu.memref_slice %arg4[%add3A_22, %dma_start3A_39] : memref<327680x16xf32, #tpu.memory_space<hbm>> -> memref<2560x16xf32, #tpu.memory_space<hbm>>
      %dma_start3A_41 = arith.constant 0 : i32
      %dma_start3A_42 = tpu.memref_slice %arg4[%add3A_22, %dma_start3A_41] : memref<327680x16xf32, #tpu.memory_space<hbm>> -> memref<2560x16xf32, #tpu.memory_space<hbm>>
      tpu.enqueue_dma source(%arg6 : memref<2560x16xf32, #tpu.memory_space<vmem>>) target(%dma_start3A_42 : memref<2560x16xf32, #tpu.memory_space<hbm>>) target_semaphore(%run_scoped3A : memref<!tpu.dma_semaphore, #tpu.memory_space<semaphore_mem>>)
      %dma_wait3A_43 = arith.constant 0 : i32
      %dma_wait3A_44 = tpu.memref_slice %arg4[%add3A_22, %dma_wait3A_43] : memref<327680x16xf32, #tpu.memory_space<hbm>> -> memref<2560x16xf32, #tpu.memory_space<hbm>>
      %dma_wait3A_45 = arith.constant 0 : i32
      %dma_wait3A_46 = tpu.memref_slice %arg4[%add3A_22, %dma_wait3A_45] : memref<327680x16xf32, #tpu.memory_space<hbm>> -> memref<2560x16xf32, #tpu.memory_space<hbm>>
      tpu.wait_dma2 semaphore(%run_scoped3A : memref<!tpu.dma_semaphore, #tpu.memory_space<semaphore_mem>>) src(%arg6 : memref<2560x16xf32, #tpu.memory_space<vmem>>) dst(%dma_wait3A_46 : memref<2560x16xf32, #tpu.memory_space<hbm>>)
      tpu.yield
    }) : () -> ()
    %mul3A_29 = arith.constant 10240 : i32
    %mul3A_30 = arith.muli %add3A, %mul3A_29 : i32
    %add3A_31 = arith.constant 7680 : i32
    %add3A_32 = arith.addi %mul3A_30, %add3A_31 : i32
    "tpu.region"() ({
      %run_scoped3A = tpu.sem_alloc : memref<!tpu.dma_semaphore, #tpu.memory_space<semaphore_mem>>
      %dma_start3A_39 = tpu.memref_slice %arg3[%add3A_32] : memref<327680xi32, #tpu.memory_space<hbm>> -> memref<2560xi32, #tpu.memory_space<hbm>>
      %dma_start3A_40 = tpu.memref_slice %arg3[%add3A_32] : memref<327680xi32, #tpu.memory_space<hbm>> -> memref<2560xi32, #tpu.memory_space<hbm>>
      tpu.enqueue_dma source(%dma_start3A_40 : memref<2560xi32, #tpu.memory_space<hbm>>) target(%arg5 : memref<2560xi32, #tpu.memory_space<vmem>>) target_semaphore(%run_scoped3A : memref<!tpu.dma_semaphore, #tpu.memory_space<semaphore_mem>>)
      %dma_wait3A_41 = tpu.memref_slice %arg3[%add3A_32] : memref<327680xi32, #tpu.memory_space<hbm>> -> memref<2560xi32, #tpu.memory_space<hbm>>
      %dma_wait3A_42 = tpu.memref_slice %arg3[%add3A_32] : memref<327680xi32, #tpu.memory_space<hbm>> -> memref<2560xi32, #tpu.memory_space<hbm>>
      tpu.wait_dma2 semaphore(%run_scoped3A : memref<!tpu.dma_semaphore, #tpu.memory_space<semaphore_mem>>) src(%dma_wait3A_42 : memref<2560xi32, #tpu.memory_space<hbm>>) dst(%arg5 : memref<2560xi32, #tpu.memory_space<vmem>>)
      tpu.yield
    }) : () -> ()
    %dma_start3A_33 = arith.constant 0 : i32
    %dma_start3A_34 = arith.constant 0 : i32
    %dma_start3A_35 = tpu.memref_slice %arg2[%dma_start3A_33, %dma_start3A_34] : memref<16384x16xf32, #tpu.memory_space<hbm>> -> memref<16384x16xf32, #tpu.memory_space<hbm>>
    tpu.enqueue_indirect_dma source(%dma_start3A_35 : memref<16384x16xf32, #tpu.memory_space<hbm>>) target(%arg6 : memref<2560x16xf32, #tpu.memory_space<vmem>>) offsets(%arg5 : memref<2560xi32, #tpu.memory_space<vmem>>) semaphore(%arg7 : memref<!tpu.dma_semaphore, #tpu.memory_space<semaphore_mem>>)
    %dma_wait3A_36 = arith.constant 0 : i32
    %dma_wait3A_37 = arith.constant 0 : i32
    %dma_wait3A_38 = tpu.memref_slice %arg2[%dma_wait3A_36, %dma_wait3A_37] : memref<16384x16xf32, #tpu.memory_space<hbm>> -> memref<16384x16xf32, #tpu.memory_space<hbm>>
    tpu.wait_indirect_dma semaphore(%arg7 : memref<!tpu.dma_semaphore, #tpu.memory_space<semaphore_mem>>) src(%dma_wait3A_38 : memref<16384x16xf32, #tpu.memory_space<hbm>>) dst(%arg6 : memref<2560x16xf32, #tpu.memory_space<vmem>>)
    "tpu.region"() ({
      %run_scoped3A = tpu.sem_alloc : memref<!tpu.dma_semaphore, #tpu.memory_space<semaphore_mem>>
      %dma_start3A_39 = arith.constant 0 : i32
      %dma_start3A_40 = tpu.memref_slice %arg4[%add3A_32, %dma_start3A_39] : memref<327680x16xf32, #tpu.memory_space<hbm>> -> memref<2560x16xf32, #tpu.memory_space<hbm>>
      %dma_start3A_41 = arith.constant 0 : i32
      %dma_start3A_42 = tpu.memref_slice %arg4[%add3A_32, %dma_start3A_41] : memref<327680x16xf32, #tpu.memory_space<hbm>> -> memref<2560x16xf32, #tpu.memory_space<hbm>>
      tpu.enqueue_dma source(%arg6 : memref<2560x16xf32, #tpu.memory_space<vmem>>) target(%dma_start3A_42 : memref<2560x16xf32, #tpu.memory_space<hbm>>) target_semaphore(%run_scoped3A : memref<!tpu.dma_semaphore, #tpu.memory_space<semaphore_mem>>)
      %dma_wait3A_43 = arith.constant 0 : i32
      %dma_wait3A_44 = tpu.memref_slice %arg4[%add3A_32, %dma_wait3A_43] : memref<327680x16xf32, #tpu.memory_space<hbm>> -> memref<2560x16xf32, #tpu.memory_space<hbm>>
      %dma_wait3A_45 = arith.constant 0 : i32
      %dma_wait3A_46 = tpu.memref_slice %arg4[%add3A_32, %dma_wait3A_45] : memref<327680x16xf32, #tpu.memory_space<hbm>> -> memref<2560x16xf32, #tpu.memory_space<hbm>>
      tpu.wait_dma2 semaphore(%run_scoped3A : memref<!tpu.dma_semaphore, #tpu.memory_space<semaphore_mem>>) src(%arg6 : memref<2560x16xf32, #tpu.memory_space<vmem>>) dst(%dma_wait3A_46 : memref<2560x16xf32, #tpu.memory_space<hbm>>)
      tpu.yield
    }) : () -> ()
    return
  }
}

module attributes {stable_mosaic.version = 14 : i64} {
  func.func @_topk_body(%arg0: i32, %arg1: i32, %arg2: memref<1x512x16xf32, #tpu.memory_space<vmem>>, %arg3: memref<1x2048x16xf32, #tpu.memory_space<vmem>>, %arg4: memref<1x512x32xi32, #tpu.memory_space<vmem>>) attributes {dimension_semantics = [#tpu.dimension_semantics<arbitrary>, #tpu.dimension_semantics<arbitrary>], iteration_bounds = array<i64: 8, 4>, scalar_prefetch = 0 : i64, scratch_operands = 0 : i64, tpu.core_type = #tpu.core_type<tc>, window_params = [{transform_indices = @transform_0, window_bounds = array<i64: 1, 512, 16>}, {transform_indices = @transform_1, window_bounds = array<i64: 1, 2048, 16>}, {transform_indices = @transform_2, window_bounds = array<i64: 1, 512, 32>}]} {
    %get3A = arith.constant 0 : index
    %get3A_0 = arith.constant 0 : index
    %get3A_1 = arith.constant 0 : index
    %get3A_2 = vector.load %arg2[%get3A, %get3A_0, %get3A_1] : memref<1x512x16xf32, #tpu.memory_space<vmem>>, vector<1x512x16xf32>
    %get3A_3 = vector.shape_cast %get3A_2 : vector<1x512x16xf32> to vector<512x16xf32>
    %get3A_4 = arith.constant 0 : index
    %get3A_5 = arith.constant 0 : index
    %get3A_6 = arith.constant 0 : index
    %get3A_7 = vector.load %arg3[%get3A_4, %get3A_5, %get3A_6] : memref<1x2048x16xf32, #tpu.memory_space<vmem>>, vector<1x2048x16xf32>
    %get3A_8 = vector.shape_cast %get3A_7 : vector<1x2048x16xf32> to vector<2048x16xf32>
    %dot_general3A = arith.constant dense<0.000000e+00> : vector<512x2048xf32>
    %dot_general3A_9 = tpu.matmul %get3A_3, %get3A_8, %dot_general3A {dimension_numbers = #tpu.dot_dimension_numbers<[1], [1], [0], [0], [0, 0, 1, 0], [], []>, transpose_lhs_hint = false} : vector<512x16xf32>, vector<2048x16xf32>, vector<512x2048xf32> -> vector<512x2048xf32>
    %mul3A = arith.mulf %get3A_3, %get3A_3 : vector<512x16xf32>
    %reduce_sum3A = arith.constant dense<0.000000e+00> : vector<512xf32>
    %reduce_sum3A_10 = vector.multi_reduction <add>, %mul3A, %reduce_sum3A [1] : vector<512x16xf32> to vector<512xf32>
    %broadcast_in_dim3A = vector.shape_cast %reduce_sum3A_10 : vector<512xf32> to vector<512x1xf32>
    %mul3A_11 = arith.mulf %get3A_8, %get3A_8 : vector<2048x16xf32>
    %reduce_sum3A_12 = arith.constant dense<0.000000e+00> : vector<2048xf32>
    %reduce_sum3A_13 = vector.multi_reduction <add>, %mul3A_11, %reduce_sum3A_12 [1] : vector<2048x16xf32> to vector<2048xf32>
    %broadcast_in_dim3A_14 = vector.shape_cast %reduce_sum3A_13 : vector<2048xf32> to vector<2048x1xf32>
    %mul3A_15 = arith.constant -2.000000e+00 : f32
    %mul3A_16 = vector.broadcast %mul3A_15 : f32 to vector<512x2048xf32>
    %mul3A_17 = arith.mulf %mul3A_16, %dot_general3A_9 : vector<512x2048xf32>
    %neg3A = arith.constant 0.000000e+00 : f32
    %neg3A_18 = vector.broadcast %neg3A : f32 to vector<512x1xf32>
    %neg3A_19 = arith.subf %neg3A_18, %broadcast_in_dim3A : vector<512x1xf32>
    %sub3A = vector.broadcast %neg3A_19 : vector<512x1xf32> to vector<512x2048xf32>
    %sub3A_20 = arith.subf %sub3A, %mul3A_17 : vector<512x2048xf32>
    %transpose3A = tpu.transpose %broadcast_in_dim3A_14, [1, 0] : vector<2048x1xf32> -> vector<1x2048xf32>
    %sub3A_21 = vector.broadcast %transpose3A : vector<1x2048xf32> to vector<512x2048xf32>
    %sub3A_22 = arith.subf %sub3A_20, %sub3A_21 : vector<512x2048xf32>
    %iota3A = tpu.iota {dimensions = array<i32: 1>} : vector<512x2048xi32>
    %mul3A_23 = arith.constant 512 : i32
    %mul3A_24 = arith.muli %arg1, %mul3A_23 : i32
    %iota3A_25 = tpu.iota {dimensions = array<i32: 0>} : vector<512x1xi32>
    %add3A = vector.broadcast %mul3A_24 : i32 to vector<512x1xi32>
    %add3A_26 = arith.addi %add3A, %iota3A_25 : vector<512x1xi32>
    %squeeze3A = vector.shape_cast %add3A_26 : vector<512x1xi32> to vector<512xi32>
    %mul3A_27 = arith.constant 2048 : i32
    %mul3A_28 = arith.muli %arg0, %mul3A_27 : i32
    %add3A_29 = vector.broadcast %mul3A_28 : i32 to vector<512xi32>
    %add3A_30 = arith.addi %squeeze3A, %add3A_29 : vector<512xi32>
    %swap3A = arith.constant 0 : index
    %swap3A_31 = arith.constant 0 : index
    %swap3A_32 = arith.constant 0 : index
    %swap3A_33 = vector.load %arg4[%swap3A, %swap3A_31, %swap3A_32] : memref<1x512x32xi32, #tpu.memory_space<vmem>>, vector<1x512x1xi32>
    %swap3A_34 = vector.shape_cast %swap3A_33 : vector<1x512x1xi32> to vector<512xi32>
    %swap3A_35 = vector.shape_cast %add3A_30 : vector<512xi32> to vector<1x512x1xi32>
    tpu.vector_store %arg4[%swap3A, %swap3A_31, %swap3A_32], %swap3A_35 {strides = array<i32>} : memref<1x512x32xi32, #tpu.memory_space<vmem>>, vector<1x512x1xi32>,
    %eq3A = vector.broadcast %add3A_26 : vector<512x1xi32> to vector<512x2048xi32>
    %eq3A_36 = arith.cmpi eq, %iota3A, %eq3A : vector<512x2048xi32>
    %jit3A = arith.constant -3.000000e+38 : f32
    %broadcast_in_dim3A_37 = vector.broadcast %jit3A : f32 to vector<512x2048xf32>
    %select_n3A = arith.select %eq3A_36, %broadcast_in_dim3A_37, %sub3A_22 : vector<512x2048xi1>, vector<512x2048xf32>
    %reduce_max3A = arith.constant dense<0xFF800000> : vector<512xf32>
    %reduce_max3A_38 = vector.multi_reduction <maximumf>, %select_n3A, %reduce_max3A [1] : vector<512x2048xf32> to vector<512xf32>
    %broadcast_in_dim3A_39 = vector.shape_cast %reduce_max3A_38 : vector<512xf32> to vector<512x1xf32>
    %eq3A_40 = vector.broadcast %broadcast_in_dim3A_39 : vector<512x1xf32> to vector<512x2048xf32>
    %eq3A_41 = arith.cmpf oeq, %select_n3A, %eq3A_40 : vector<512x2048xf32>
    %jit3A_42 = arith.constant 2048 : i32
    %broadcast_in_dim3A_43 = vector.broadcast %jit3A_42 : i32 to vector<512x2048xi32>
    %select_n3A_44 = arith.select %eq3A_41, %iota3A, %broadcast_in_dim3A_43 : vector<512x2048xi1>, vector<512x2048xi32>
    %reduce_min3A = arith.constant dense<2147483647> : vector<512xi32>
    %reduce_min3A_45 = vector.multi_reduction <minsi>, %select_n3A_44, %reduce_min3A [1] : vector<512x2048xi32> to vector<512xi32>
    %mul3A_46 = arith.constant 2048 : i32
    %mul3A_47 = arith.muli %arg0, %mul3A_46 : i32
    %add3A_48 = vector.broadcast %mul3A_47 : i32 to vector<512xi32>
    %add3A_49 = arith.addi %reduce_min3A_45, %add3A_48 : vector<512xi32>
    %swap3A_50 = arith.constant 0 : index
    %swap3A_51 = arith.constant 0 : index
    %swap3A_52 = arith.constant 1 : index
    %swap3A_53 = vector.load %arg4[%swap3A_50, %swap3A_51, %swap3A_52] : memref<1x512x32xi32, #tpu.memory_space<vmem>>, vector<1x512x1xi32>
    %swap3A_54 = vector.shape_cast %swap3A_53 : vector<1x512x1xi32> to vector<512xi32>
    %swap3A_55 = vector.shape_cast %add3A_49 : vector<512xi32> to vector<1x512x1xi32>
    tpu.vector_store %arg4[%swap3A_50, %swap3A_51, %swap3A_52], %swap3A_55 {strides = array<i32>} : memref<1x512x32xi32, #tpu.memory_space<vmem>>, vector<1x512x1xi32>,
    %broadcast_in_dim3A_56 = vector.shape_cast %reduce_min3A_45 : vector<512xi32> to vector<512x1xi32>
    %eq3A_57 = vector.broadcast %broadcast_in_dim3A_56 : vector<512x1xi32> to vector<512x2048xi32>
    %eq3A_58 = arith.cmpi eq, %iota3A, %eq3A_57 : vector<512x2048xi32>
    %jit3A_59 = arith.constant -3.000000e+38 : f32
    %broadcast_in_dim3A_60 = vector.broadcast %jit3A_59 : f32 to vector<512x2048xf32>
    %select_n3A_61 = arith.select %eq3A_58, %broadcast_in_dim3A_60, %select_n3A : vector<512x2048xi1>, vector<512x2048xf32>
    %reduce_max3A_62 = arith.constant dense<0xFF800000> : vector<512xf32>
    %reduce_max3A_63 = vector.multi_reduction <maximumf>, %select_n3A_61, %reduce_max3A_62 [1] : vector<512x2048xf32> to vector<512xf32>
    %broadcast_in_dim3A_64 = vector.shape_cast %reduce_max3A_63 : vector<512xf32> to vector<512x1xf32>
    %eq3A_65 = vector.broadcast %broadcast_in_dim3A_64 : vector<512x1xf32> to vector<512x2048xf32>
    %eq3A_66 = arith.cmpf oeq, %select_n3A_61, %eq3A_65 : vector<512x2048xf32>
    %jit3A_67 = arith.constant 2048 : i32
    %broadcast_in_dim3A_68 = vector.broadcast %jit3A_67 : i32 to vector<512x2048xi32>
    %select_n3A_69 = arith.select %eq3A_66, %iota3A, %broadcast_in_dim3A_68 : vector<512x2048xi1>, vector<512x2048xi32>
    %reduce_min3A_70 = arith.constant dense<2147483647> : vector<512xi32>
    %reduce_min3A_71 = vector.multi_reduction <minsi>, %select_n3A_69, %reduce_min3A_70 [1] : vector<512x2048xi32> to vector<512xi32>
    %mul3A_72 = arith.constant 2048 : i32
    %mul3A_73 = arith.muli %arg0, %mul3A_72 : i32
    %add3A_74 = vector.broadcast %mul3A_73 : i32 to vector<512xi32>
    %add3A_75 = arith.addi %reduce_min3A_71, %add3A_74 : vector<512xi32>
    %swap3A_76 = arith.constant 0 : index
    %swap3A_77 = arith.constant 0 : index
    %swap3A_78 = arith.constant 2 : index
    %swap3A_79 = vector.load %arg4[%swap3A_76, %swap3A_77, %swap3A_78] : memref<1x512x32xi32, #tpu.memory_space<vmem>>, vector<1x512x1xi32>
    %swap3A_80 = vector.shape_cast %swap3A_79 : vector<1x512x1xi32> to vector<512xi32>
    %swap3A_81 = vector.shape_cast %add3A_75 : vector<512xi32> to vector<1x512x1xi32>
    tpu.vector_store %arg4[%swap3A_76, %swap3A_77, %swap3A_78], %swap3A_81 {strides = array<i32>} : memref<1x512x32xi32, #tpu.memory_space<vmem>>, vector<1x512x1xi32>,
    %broadcast_in_dim3A_82 = vector.shape_cast %reduce_min3A_71 : vector<512xi32> to vector<512x1xi32>
    %eq3A_83 = vector.broadcast %broadcast_in_dim3A_82 : vector<512x1xi32> to vector<512x2048xi32>
    %eq3A_84 = arith.cmpi eq, %iota3A, %eq3A_83 : vector<512x2048xi32>
    %jit3A_85 = arith.constant -3.000000e+38 : f32
    %broadcast_in_dim3A_86 = vector.broadcast %jit3A_85 : f32 to vector<512x2048xf32>
    %select_n3A_87 = arith.select %eq3A_84, %broadcast_in_dim3A_86, %select_n3A_61 : vector<512x2048xi1>, vector<512x2048xf32>
    %reduce_max3A_88 = arith.constant dense<0xFF800000> : vector<512xf32>
    %reduce_max3A_89 = vector.multi_reduction <maximumf>, %select_n3A_87, %reduce_max3A_88 [1] : vector<512x2048xf32> to vector<512xf32>
    %broadcast_in_dim3A_90 = vector.shape_cast %reduce_max3A_89 : vector<512xf32> to vector<512x1xf32>
    %eq3A_91 = vector.broadcast %broadcast_in_dim3A_90 : vector<512x1xf32> to vector<512x2048xf32>
    %eq3A_92 = arith.cmpf oeq, %select_n3A_87, %eq3A_91 : vector<512x2048xf32>
    %jit3A_93 = arith.constant 2048 : i32
    %broadcast_in_dim3A_94 = vector.broadcast %jit3A_93 : i32 to vector<512x2048xi32>
    %select_n3A_95 = arith.select %eq3A_92, %iota3A, %broadcast_in_dim3A_94 : vector<512x2048xi1>, vector<512x2048xi32>
    %reduce_min3A_96 = arith.constant dense<2147483647> : vector<512xi32>
    %reduce_min3A_97 = vector.multi_reduction <minsi>, %select_n3A_95, %reduce_min3A_96 [1] : vector<512x2048xi32> to vector<512xi32>
    %mul3A_98 = arith.constant 2048 : i32
    %mul3A_99 = arith.muli %arg0, %mul3A_98 : i32
    %add3A_100 = vector.broadcast %mul3A_99 : i32 to vector<512xi32>
    %add3A_101 = arith.addi %reduce_min3A_97, %add3A_100 : vector<512xi32>
    %swap3A_102 = arith.constant 0 : index
    %swap3A_103 = arith.constant 0 : index
    %swap3A_104 = arith.constant 3 : index
    %swap3A_105 = vector.load %arg4[%swap3A_102, %swap3A_103, %swap3A_104] : memref<1x512x32xi32, #tpu.memory_space<vmem>>, vector<1x512x1xi32>
    %swap3A_106 = vector.shape_cast %swap3A_105 : vector<1x512x1xi32> to vector<512xi32>
    %swap3A_107 = vector.shape_cast %add3A_101 : vector<512xi32> to vector<1x512x1xi32>
    tpu.vector_store %arg4[%swap3A_102, %swap3A_103, %swap3A_104], %swap3A_107 {strides = array<i32>} : memref<1x512x32xi32, #tpu.memory_space<vmem>>, vector<1x512x1xi32>,
    %broadcast_in_dim3A_108 = vector.shape_cast %reduce_min3A_97 : vector<512xi32> to vector<512x1xi32>
    %eq3A_109 = vector.broadcast %broadcast_in_dim3A_108 : vector<512x1xi32> to vector<512x2048xi32>
    %eq3A_110 = arith.cmpi eq, %iota3A, %eq3A_109 : vector<512x2048xi32>
    %jit3A_111 = arith.constant -3.000000e+38 : f32
    %broadcast_in_dim3A_112 = vector.broadcast %jit3A_111 : f32 to vector<512x2048xf32>
    %select_n3A_113 = arith.select %eq3A_110, %broadcast_in_dim3A_112, %select_n3A_87 : vector<512x2048xi1>, vector<512x2048xf32>
    %reduce_max3A_114 = arith.constant dense<0xFF800000> : vector<512xf32>
    %reduce_max3A_115 = vector.multi_reduction <maximumf>, %select_n3A_113, %reduce_max3A_114 [1] : vector<512x2048xf32> to vector<512xf32>
    %broadcast_in_dim3A_116 = vector.shape_cast %reduce_max3A_115 : vector<512xf32> to vector<512x1xf32>
    %eq3A_117 = vector.broadcast %broadcast_in_dim3A_116 : vector<512x1xf32> to vector<512x2048xf32>
    %eq3A_118 = arith.cmpf oeq, %select_n3A_113, %eq3A_117 : vector<512x2048xf32>
    %jit3A_119 = arith.constant 2048 : i32
    %broadcast_in_dim3A_120 = vector.broadcast %jit3A_119 : i32 to vector<512x2048xi32>
    %select_n3A_121 = arith.select %eq3A_118, %iota3A, %broadcast_in_dim3A_120 : vector<512x2048xi1>, vector<512x2048xi32>
    %reduce_min3A_122 = arith.constant dense<2147483647> : vector<512xi32>
    %reduce_min3A_123 = vector.multi_reduction <minsi>, %select_n3A_121, %reduce_min3A_122 [1] : vector<512x2048xi32> to vector<512xi32>
    %mul3A_124 = arith.constant 2048 : i32
    %mul3A_125 = arith.muli %arg0, %mul3A_124 : i32
    %add3A_126 = vector.broadcast %mul3A_125 : i32 to vector<512xi32>
    %add3A_127 = arith.addi %reduce_min3A_123, %add3A_126 : vector<512xi32>
    %swap3A_128 = arith.constant 0 : index
    %swap3A_129 = arith.constant 0 : index
    %swap3A_130 = arith.constant 4 : index
    %swap3A_131 = vector.load %arg4[%swap3A_128, %swap3A_129, %swap3A_130] : memref<1x512x32xi32, #tpu.memory_space<vmem>>, vector<1x512x1xi32>
    %swap3A_132 = vector.shape_cast %swap3A_131 : vector<1x512x1xi32> to vector<512xi32>
    %swap3A_133 = vector.shape_cast %add3A_127 : vector<512xi32> to vector<1x512x1xi32>
    tpu.vector_store %arg4[%swap3A_128, %swap3A_129, %swap3A_130], %swap3A_133 {strides = array<i32>} : memref<1x512x32xi32, #tpu.memory_space<vmem>>, vector<1x512x1xi32>,
    %broadcast_in_dim3A_134 = vector.shape_cast %reduce_min3A_123 : vector<512xi32> to vector<512x1xi32>
    %eq3A_135 = vector.broadcast %broadcast_in_dim3A_134 : vector<512x1xi32> to vector<512x2048xi32>
    %eq3A_136 = arith.cmpi eq, %iota3A, %eq3A_135 : vector<512x2048xi32>
    %jit3A_137 = arith.constant -3.000000e+38 : f32
    %broadcast_in_dim3A_138 = vector.broadcast %jit3A_137 : f32 to vector<512x2048xf32>
    %select_n3A_139 = arith.select %eq3A_136, %broadcast_in_dim3A_138, %select_n3A_113 : vector<512x2048xi1>, vector<512x2048xf32>
    %reduce_max3A_140 = arith.constant dense<0xFF800000> : vector<512xf32>
    %reduce_max3A_141 = vector.multi_reduction <maximumf>, %select_n3A_139, %reduce_max3A_140 [1] : vector<512x2048xf32> to vector<512xf32>
    %broadcast_in_dim3A_142 = vector.shape_cast %reduce_max3A_141 : vector<512xf32> to vector<512x1xf32>
    %eq3A_143 = vector.broadcast %broadcast_in_dim3A_142 : vector<512x1xf32> to vector<512x2048xf32>
    %eq3A_144 = arith.cmpf oeq, %select_n3A_139, %eq3A_143 : vector<512x2048xf32>
    %jit3A_145 = arith.constant 2048 : i32
    %broadcast_in_dim3A_146 = vector.broadcast %jit3A_145 : i32 to vector<512x2048xi32>
    %select_n3A_147 = arith.select %eq3A_144, %iota3A, %broadcast_in_dim3A_146 : vector<512x2048xi1>, vector<512x2048xi32>
    %reduce_min3A_148 = arith.constant dense<2147483647> : vector<512xi32>
    %reduce_min3A_149 = vector.multi_reduction <minsi>, %select_n3A_147, %reduce_min3A_148 [1] : vector<512x2048xi32> to vector<512xi32>
    %mul3A_150 = arith.constant 2048 : i32
    %mul3A_151 = arith.muli %arg0, %mul3A_150 : i32
    %add3A_152 = vector.broadcast %mul3A_151 : i32 to vector<512xi32>
    %add3A_153 = arith.addi %reduce_min3A_149, %add3A_152 : vector<512xi32>
    %swap3A_154 = arith.constant 0 : index
    %swap3A_155 = arith.constant 0 : index
    %swap3A_156 = arith.constant 5 : index
    %swap3A_157 = vector.load %arg4[%swap3A_154, %swap3A_155, %swap3A_156] : memref<1x512x32xi32, #tpu.memory_space<vmem>>, vector<1x512x1xi32>
    %swap3A_158 = vector.shape_cast %swap3A_157 : vector<1x512x1xi32> to vector<512xi32>
    %swap3A_159 = vector.shape_cast %add3A_153 : vector<512xi32> to vector<1x512x1xi32>
    tpu.vector_store %arg4[%swap3A_154, %swap3A_155, %swap3A_156], %swap3A_159 {strides = array<i32>} : memref<1x512x32xi32, #tpu.memory_space<vmem>>, vector<1x512x1xi32>,
    %broadcast_in_dim3A_160 = vector.shape_cast %reduce_min3A_149 : vector<512xi32> to vector<512x1xi32>
    %eq3A_161 = vector.broadcast %broadcast_in_dim3A_160 : vector<512x1xi32> to vector<512x2048xi32>
    %eq3A_162 = arith.cmpi eq, %iota3A, %eq3A_161 : vector<512x2048xi32>
    %jit3A_163 = arith.constant -3.000000e+38 : f32
    %broadcast_in_dim3A_164 = vector.broadcast %jit3A_163 : f32 to vector<512x2048xf32>
    %select_n3A_165 = arith.select %eq3A_162, %broadcast_in_dim3A_164, %select_n3A_139 : vector<512x2048xi1>, vector<512x2048xf32>
    %reduce_max3A_166 = arith.constant dense<0xFF800000> : vector<512xf32>
    %reduce_max3A_167 = vector.multi_reduction <maximumf>, %select_n3A_165, %reduce_max3A_166 [1] : vector<512x2048xf32> to vector<512xf32>
    %broadcast_in_dim3A_168 = vector.shape_cast %reduce_max3A_167 : vector<512xf32> to vector<512x1xf32>
    %eq3A_169 = vector.broadcast %broadcast_in_dim3A_168 : vector<512x1xf32> to vector<512x2048xf32>
    %eq3A_170 = arith.cmpf oeq, %select_n3A_165, %eq3A_169 : vector<512x2048xf32>
    %jit3A_171 = arith.constant 2048 : i32
    %broadcast_in_dim3A_172 = vector.broadcast %jit3A_171 : i32 to vector<512x2048xi32>
    %select_n3A_173 = arith.select %eq3A_170, %iota3A, %broadcast_in_dim3A_172 : vector<512x2048xi1>, vector<512x2048xi32>
    %reduce_min3A_174 = arith.constant dense<2147483647> : vector<512xi32>
    %reduce_min3A_175 = vector.multi_reduction <minsi>, %select_n3A_173, %reduce_min3A_174 [1] : vector<512x2048xi32> to vector<512xi32>
    %mul3A_176 = arith.constant 2048 : i32
    %mul3A_177 = arith.muli %arg0, %mul3A_176 : i32
    %add3A_178 = vector.broadcast %mul3A_177 : i32 to vector<512xi32>
    %add3A_179 = arith.addi %reduce_min3A_175, %add3A_178 : vector<512xi32>
    %swap3A_180 = arith.constant 0 : index
    %swap3A_181 = arith.constant 0 : index
    %swap3A_182 = arith.constant 6 : index
    %swap3A_183 = vector.load %arg4[%swap3A_180, %swap3A_181, %swap3A_182] : memref<1x512x32xi32, #tpu.memory_space<vmem>>, vector<1x512x1xi32>
    %swap3A_184 = vector.shape_cast %swap3A_183 : vector<1x512x1xi32> to vector<512xi32>
    %swap3A_185 = vector.shape_cast %add3A_179 : vector<512xi32> to vector<1x512x1xi32>
    tpu.vector_store %arg4[%swap3A_180, %swap3A_181, %swap3A_182], %swap3A_185 {strides = array<i32>} : memref<1x512x32xi32, #tpu.memory_space<vmem>>, vector<1x512x1xi32>,
    %broadcast_in_dim3A_186 = vector.shape_cast %reduce_min3A_175 : vector<512xi32> to vector<512x1xi32>
    %eq3A_187 = vector.broadcast %broadcast_in_dim3A_186 : vector<512x1xi32> to vector<512x2048xi32>
    %eq3A_188 = arith.cmpi eq, %iota3A, %eq3A_187 : vector<512x2048xi32>
    %jit3A_189 = arith.constant -3.000000e+38 : f32
    %broadcast_in_dim3A_190 = vector.broadcast %jit3A_189 : f32 to vector<512x2048xf32>
    %select_n3A_191 = arith.select %eq3A_188, %broadcast_in_dim3A_190, %select_n3A_165 : vector<512x2048xi1>, vector<512x2048xf32>
    %reduce_max3A_192 = arith.constant dense<0xFF800000> : vector<512xf32>
    %reduce_max3A_193 = vector.multi_reduction <maximumf>, %select_n3A_191, %reduce_max3A_192 [1] : vector<512x2048xf32> to vector<512xf32>
    %broadcast_in_dim3A_194 = vector.shape_cast %reduce_max3A_193 : vector<512xf32> to vector<512x1xf32>
    %eq3A_195 = vector.broadcast %broadcast_in_dim3A_194 : vector<512x1xf32> to vector<512x2048xf32>
    %eq3A_196 = arith.cmpf oeq, %select_n3A_191, %eq3A_195 : vector<512x2048xf32>
    %jit3A_197 = arith.constant 2048 : i32
    %broadcast_in_dim3A_198 = vector.broadcast %jit3A_197 : i32 to vector<512x2048xi32>
    %select_n3A_199 = arith.select %eq3A_196, %iota3A, %broadcast_in_dim3A_198 : vector<512x2048xi1>, vector<512x2048xi32>
    %reduce_min3A_200 = arith.constant dense<2147483647> : vector<512xi32>
    %reduce_min3A_201 = vector.multi_reduction <minsi>, %select_n3A_199, %reduce_min3A_200 [1] : vector<512x2048xi32> to vector<512xi32>
    %mul3A_202 = arith.constant 2048 : i32
    %mul3A_203 = arith.muli %arg0, %mul3A_202 : i32
    %add3A_204 = vector.broadcast %mul3A_203 : i32 to vector<512xi32>
    %add3A_205 = arith.addi %reduce_min3A_201, %add3A_204 : vector<512xi32>
    %swap3A_206 = arith.constant 0 : index
    %swap3A_207 = arith.constant 0 : index
    %swap3A_208 = arith.constant 7 : index
    %swap3A_209 = vector.load %arg4[%swap3A_206, %swap3A_207, %swap3A_208] : memref<1x512x32xi32, #tpu.memory_space<vmem>>, vector<1x512x1xi32>
    %swap3A_210 = vector.shape_cast %swap3A_209 : vector<1x512x1xi32> to vector<512xi32>
    %swap3A_211 = vector.shape_cast %add3A_205 : vector<512xi32> to vector<1x512x1xi32>
    tpu.vector_store %arg4[%swap3A_206, %swap3A_207, %swap3A_208], %swap3A_211 {strides = array<i32>} : memref<1x512x32xi32, #tpu.memory_space<vmem>>, vector<1x512x1xi32>,
    %broadcast_in_dim3A_212 = vector.shape_cast %reduce_min3A_201 : vector<512xi32> to vector<512x1xi32>
    %eq3A_213 = vector.broadcast %broadcast_in_dim3A_212 : vector<512x1xi32> to vector<512x2048xi32>
    %eq3A_214 = arith.cmpi eq, %iota3A, %eq3A_213 : vector<512x2048xi32>
    %jit3A_215 = arith.constant -3.000000e+38 : f32
    %broadcast_in_dim3A_216 = vector.broadcast %jit3A_215 : f32 to vector<512x2048xf32>
    %select_n3A_217 = arith.select %eq3A_214, %broadcast_in_dim3A_216, %select_n3A_191 : vector<512x2048xi1>, vector<512x2048xf32>
    %reduce_max3A_218 = arith.constant dense<0xFF800000> : vector<512xf32>
    %reduce_max3A_219 = vector.multi_reduction <maximumf>, %select_n3A_217, %reduce_max3A_218 [1] : vector<512x2048xf32> to vector<512xf32>
    %broadcast_in_dim3A_220 = vector.shape_cast %reduce_max3A_219 : vector<512xf32> to vector<512x1xf32>
    %eq3A_221 = vector.broadcast %broadcast_in_dim3A_220 : vector<512x1xf32> to vector<512x2048xf32>
    %eq3A_222 = arith.cmpf oeq, %select_n3A_217, %eq3A_221 : vector<512x2048xf32>
    %jit3A_223 = arith.constant 2048 : i32
    %broadcast_in_dim3A_224 = vector.broadcast %jit3A_223 : i32 to vector<512x2048xi32>
    %select_n3A_225 = arith.select %eq3A_222, %iota3A, %broadcast_in_dim3A_224 : vector<512x2048xi1>, vector<512x2048xi32>
    %reduce_min3A_226 = arith.constant dense<2147483647> : vector<512xi32>
    %reduce_min3A_227 = vector.multi_reduction <minsi>, %select_n3A_225, %reduce_min3A_226 [1] : vector<512x2048xi32> to vector<512xi32>
    %mul3A_228 = arith.constant 2048 : i32
    %mul3A_229 = arith.muli %arg0, %mul3A_228 : i32
    %add3A_230 = vector.broadcast %mul3A_229 : i32 to vector<512xi32>
    %add3A_231 = arith.addi %reduce_min3A_227, %add3A_230 : vector<512xi32>
    %swap3A_232 = arith.constant 0 : index
    %swap3A_233 = arith.constant 0 : index
    %swap3A_234 = arith.constant 8 : index
    %swap3A_235 = vector.load %arg4[%swap3A_232, %swap3A_233, %swap3A_234] : memref<1x512x32xi32, #tpu.memory_space<vmem>>, vector<1x512x1xi32>
    %swap3A_236 = vector.shape_cast %swap3A_235 : vector<1x512x1xi32> to vector<512xi32>
    %swap3A_237 = vector.shape_cast %add3A_231 : vector<512xi32> to vector<1x512x1xi32>
    tpu.vector_store %arg4[%swap3A_232, %swap3A_233, %swap3A_234], %swap3A_237 {strides = array<i32>} : memref<1x512x32xi32, #tpu.memory_space<vmem>>, vector<1x512x1xi32>,
    %broadcast_in_dim3A_238 = vector.shape_cast %reduce_min3A_227 : vector<512xi32> to vector<512x1xi32>
    %eq3A_239 = vector.broadcast %broadcast_in_dim3A_238 : vector<512x1xi32> to vector<512x2048xi32>
    %eq3A_240 = arith.cmpi eq, %iota3A, %eq3A_239 : vector<512x2048xi32>
    %jit3A_241 = arith.constant -3.000000e+38 : f32
    %broadcast_in_dim3A_242 = vector.broadcast %jit3A_241 : f32 to vector<512x2048xf32>
    %select_n3A_243 = arith.select %eq3A_240, %broadcast_in_dim3A_242, %select_n3A_217 : vector<512x2048xi1>, vector<512x2048xf32>
    %reduce_max3A_244 = arith.constant dense<0xFF800000> : vector<512xf32>
    %reduce_max3A_245 = vector.multi_reduction <maximumf>, %select_n3A_243, %reduce_max3A_244 [1] : vector<512x2048xf32> to vector<512xf32>
    %broadcast_in_dim3A_246 = vector.shape_cast %reduce_max3A_245 : vector<512xf32> to vector<512x1xf32>
    %eq3A_247 = vector.broadcast %broadcast_in_dim3A_246 : vector<512x1xf32> to vector<512x2048xf32>
    %eq3A_248 = arith.cmpf oeq, %select_n3A_243, %eq3A_247 : vector<512x2048xf32>
    %jit3A_249 = arith.constant 2048 : i32
    %broadcast_in_dim3A_250 = vector.broadcast %jit3A_249 : i32 to vector<512x2048xi32>
    %select_n3A_251 = arith.select %eq3A_248, %iota3A, %broadcast_in_dim3A_250 : vector<512x2048xi1>, vector<512x2048xi32>
    %reduce_min3A_252 = arith.constant dense<2147483647> : vector<512xi32>
    %reduce_min3A_253 = vector.multi_reduction <minsi>, %select_n3A_251, %reduce_min3A_252 [1] : vector<512x2048xi32> to vector<512xi32>
    %mul3A_254 = arith.constant 2048 : i32
    %mul3A_255 = arith.muli %arg0, %mul3A_254 : i32
    %add3A_256 = vector.broadcast %mul3A_255 : i32 to vector<512xi32>
    %add3A_257 = arith.addi %reduce_min3A_253, %add3A_256 : vector<512xi32>
    %swap3A_258 = arith.constant 0 : index
    %swap3A_259 = arith.constant 0 : index
    %swap3A_260 = arith.constant 9 : index
    %swap3A_261 = vector.load %arg4[%swap3A_258, %swap3A_259, %swap3A_260] : memref<1x512x32xi32, #tpu.memory_space<vmem>>, vector<1x512x1xi32>
    %swap3A_262 = vector.shape_cast %swap3A_261 : vector<1x512x1xi32> to vector<512xi32>
    %swap3A_263 = vector.shape_cast %add3A_257 : vector<512xi32> to vector<1x512x1xi32>
    tpu.vector_store %arg4[%swap3A_258, %swap3A_259, %swap3A_260], %swap3A_263 {strides = array<i32>} : memref<1x512x32xi32, #tpu.memory_space<vmem>>, vector<1x512x1xi32>,
    %broadcast_in_dim3A_264 = vector.shape_cast %reduce_min3A_253 : vector<512xi32> to vector<512x1xi32>
    %eq3A_265 = vector.broadcast %broadcast_in_dim3A_264 : vector<512x1xi32> to vector<512x2048xi32>
    %eq3A_266 = arith.cmpi eq, %iota3A, %eq3A_265 : vector<512x2048xi32>
    %jit3A_267 = arith.constant -3.000000e+38 : f32
    %broadcast_in_dim3A_268 = vector.broadcast %jit3A_267 : f32 to vector<512x2048xf32>
    %select_n3A_269 = arith.select %eq3A_266, %broadcast_in_dim3A_268, %select_n3A_243 : vector<512x2048xi1>, vector<512x2048xf32>
    %reduce_max3A_270 = arith.constant dense<0xFF800000> : vector<512xf32>
    %reduce_max3A_271 = vector.multi_reduction <maximumf>, %select_n3A_269, %reduce_max3A_270 [1] : vector<512x2048xf32> to vector<512xf32>
    %broadcast_in_dim3A_272 = vector.shape_cast %reduce_max3A_271 : vector<512xf32> to vector<512x1xf32>
    %eq3A_273 = vector.broadcast %broadcast_in_dim3A_272 : vector<512x1xf32> to vector<512x2048xf32>
    %eq3A_274 = arith.cmpf oeq, %select_n3A_269, %eq3A_273 : vector<512x2048xf32>
    %jit3A_275 = arith.constant 2048 : i32
    %broadcast_in_dim3A_276 = vector.broadcast %jit3A_275 : i32 to vector<512x2048xi32>
    %select_n3A_277 = arith.select %eq3A_274, %iota3A, %broadcast_in_dim3A_276 : vector<512x2048xi1>, vector<512x2048xi32>
    %reduce_min3A_278 = arith.constant dense<2147483647> : vector<512xi32>
    %reduce_min3A_279 = vector.multi_reduction <minsi>, %select_n3A_277, %reduce_min3A_278 [1] : vector<512x2048xi32> to vector<512xi32>
    %mul3A_280 = arith.constant 2048 : i32
    %mul3A_281 = arith.muli %arg0, %mul3A_280 : i32
    %add3A_282 = vector.broadcast %mul3A_281 : i32 to vector<512xi32>
    %add3A_283 = arith.addi %reduce_min3A_279, %add3A_282 : vector<512xi32>
    %swap3A_284 = arith.constant 0 : index
    %swap3A_285 = arith.constant 0 : index
    %swap3A_286 = arith.constant 10 : index
    %swap3A_287 = vector.load %arg4[%swap3A_284, %swap3A_285, %swap3A_286] : memref<1x512x32xi32, #tpu.memory_space<vmem>>, vector<1x512x1xi32>
    %swap3A_288 = vector.shape_cast %swap3A_287 : vector<1x512x1xi32> to vector<512xi32>
    %swap3A_289 = vector.shape_cast %add3A_283 : vector<512xi32> to vector<1x512x1xi32>
    tpu.vector_store %arg4[%swap3A_284, %swap3A_285, %swap3A_286], %swap3A_289 {strides = array<i32>} : memref<1x512x32xi32, #tpu.memory_space<vmem>>, vector<1x512x1xi32>,
    %broadcast_in_dim3A_290 = vector.shape_cast %reduce_min3A_279 : vector<512xi32> to vector<512x1xi32>
    %eq3A_291 = vector.broadcast %broadcast_in_dim3A_290 : vector<512x1xi32> to vector<512x2048xi32>
    %eq3A_292 = arith.cmpi eq, %iota3A, %eq3A_291 : vector<512x2048xi32>
    %jit3A_293 = arith.constant -3.000000e+38 : f32
    %broadcast_in_dim3A_294 = vector.broadcast %jit3A_293 : f32 to vector<512x2048xf32>
    %select_n3A_295 = arith.select %eq3A_292, %broadcast_in_dim3A_294, %select_n3A_269 : vector<512x2048xi1>, vector<512x2048xf32>
    %reduce_max3A_296 = arith.constant dense<0xFF800000> : vector<512xf32>
    %reduce_max3A_297 = vector.multi_reduction <maximumf>, %select_n3A_295, %reduce_max3A_296 [1] : vector<512x2048xf32> to vector<512xf32>
    %broadcast_in_dim3A_298 = vector.shape_cast %reduce_max3A_297 : vector<512xf32> to vector<512x1xf32>
    %eq3A_299 = vector.broadcast %broadcast_in_dim3A_298 : vector<512x1xf32> to vector<512x2048xf32>
    %eq3A_300 = arith.cmpf oeq, %select_n3A_295, %eq3A_299 : vector<512x2048xf32>
    %jit3A_301 = arith.constant 2048 : i32
    %broadcast_in_dim3A_302 = vector.broadcast %jit3A_301 : i32 to vector<512x2048xi32>
    %select_n3A_303 = arith.select %eq3A_300, %iota3A, %broadcast_in_dim3A_302 : vector<512x2048xi1>, vector<512x2048xi32>
    %reduce_min3A_304 = arith.constant dense<2147483647> : vector<512xi32>
    %reduce_min3A_305 = vector.multi_reduction <minsi>, %select_n3A_303, %reduce_min3A_304 [1] : vector<512x2048xi32> to vector<512xi32>
    %mul3A_306 = arith.constant 2048 : i32
    %mul3A_307 = arith.muli %arg0, %mul3A_306 : i32
    %add3A_308 = vector.broadcast %mul3A_307 : i32 to vector<512xi32>
    %add3A_309 = arith.addi %reduce_min3A_305, %add3A_308 : vector<512xi32>
    %swap3A_310 = arith.constant 0 : index
    %swap3A_311 = arith.constant 0 : index
    %swap3A_312 = arith.constant 11 : index
    %swap3A_313 = vector.load %arg4[%swap3A_310, %swap3A_311, %swap3A_312] : memref<1x512x32xi32, #tpu.memory_space<vmem>>, vector<1x512x1xi32>
    %swap3A_314 = vector.shape_cast %swap3A_313 : vector<1x512x1xi32> to vector<512xi32>
    %swap3A_315 = vector.shape_cast %add3A_309 : vector<512xi32> to vector<1x512x1xi32>
    tpu.vector_store %arg4[%swap3A_310, %swap3A_311, %swap3A_312], %swap3A_315 {strides = array<i32>} : memref<1x512x32xi32, #tpu.memory_space<vmem>>, vector<1x512x1xi32>,
    %broadcast_in_dim3A_316 = vector.shape_cast %reduce_min3A_305 : vector<512xi32> to vector<512x1xi32>
    %eq3A_317 = vector.broadcast %broadcast_in_dim3A_316 : vector<512x1xi32> to vector<512x2048xi32>
    %eq3A_318 = arith.cmpi eq, %iota3A, %eq3A_317 : vector<512x2048xi32>
    %jit3A_319 = arith.constant -3.000000e+38 : f32
    %broadcast_in_dim3A_320 = vector.broadcast %jit3A_319 : f32 to vector<512x2048xf32>
    %select_n3A_321 = arith.select %eq3A_318, %broadcast_in_dim3A_320, %select_n3A_295 : vector<512x2048xi1>, vector<512x2048xf32>
    %reduce_max3A_322 = arith.constant dense<0xFF800000> : vector<512xf32>
    %reduce_max3A_323 = vector.multi_reduction <maximumf>, %select_n3A_321, %reduce_max3A_322 [1] : vector<512x2048xf32> to vector<512xf32>
    %broadcast_in_dim3A_324 = vector.shape_cast %reduce_max3A_323 : vector<512xf32> to vector<512x1xf32>
    %eq3A_325 = vector.broadcast %broadcast_in_dim3A_324 : vector<512x1xf32> to vector<512x2048xf32>
    %eq3A_326 = arith.cmpf oeq, %select_n3A_321, %eq3A_325 : vector<512x2048xf32>
    %jit3A_327 = arith.constant 2048 : i32
    %broadcast_in_dim3A_328 = vector.broadcast %jit3A_327 : i32 to vector<512x2048xi32>
    %select_n3A_329 = arith.select %eq3A_326, %iota3A, %broadcast_in_dim3A_328 : vector<512x2048xi1>, vector<512x2048xi32>
    %reduce_min3A_330 = arith.constant dense<2147483647> : vector<512xi32>
    %reduce_min3A_331 = vector.multi_reduction <minsi>, %select_n3A_329, %reduce_min3A_330 [1] : vector<512x2048xi32> to vector<512xi32>
    %mul3A_332 = arith.constant 2048 : i32
    %mul3A_333 = arith.muli %arg0, %mul3A_332 : i32
    %add3A_334 = vector.broadcast %mul3A_333 : i32 to vector<512xi32>
    %add3A_335 = arith.addi %reduce_min3A_331, %add3A_334 : vector<512xi32>
    %swap3A_336 = arith.constant 0 : index
    %swap3A_337 = arith.constant 0 : index
    %swap3A_338 = arith.constant 12 : index
    %swap3A_339 = vector.load %arg4[%swap3A_336, %swap3A_337, %swap3A_338] : memref<1x512x32xi32, #tpu.memory_space<vmem>>, vector<1x512x1xi32>
    %swap3A_340 = vector.shape_cast %swap3A_339 : vector<1x512x1xi32> to vector<512xi32>
    %swap3A_341 = vector.shape_cast %add3A_335 : vector<512xi32> to vector<1x512x1xi32>
    tpu.vector_store %arg4[%swap3A_336, %swap3A_337, %swap3A_338], %swap3A_341 {strides = array<i32>} : memref<1x512x32xi32, #tpu.memory_space<vmem>>, vector<1x512x1xi32>,
    %broadcast_in_dim3A_342 = vector.shape_cast %reduce_min3A_331 : vector<512xi32> to vector<512x1xi32>
    %eq3A_343 = vector.broadcast %broadcast_in_dim3A_342 : vector<512x1xi32> to vector<512x2048xi32>
    %eq3A_344 = arith.cmpi eq, %iota3A, %eq3A_343 : vector<512x2048xi32>
    %jit3A_345 = arith.constant -3.000000e+38 : f32
    %broadcast_in_dim3A_346 = vector.broadcast %jit3A_345 : f32 to vector<512x2048xf32>
    %select_n3A_347 = arith.select %eq3A_344, %broadcast_in_dim3A_346, %select_n3A_321 : vector<512x2048xi1>, vector<512x2048xf32>
    %reduce_max3A_348 = arith.constant dense<0xFF800000> : vector<512xf32>
    %reduce_max3A_349 = vector.multi_reduction <maximumf>, %select_n3A_347, %reduce_max3A_348 [1] : vector<512x2048xf32> to vector<512xf32>
    %broadcast_in_dim3A_350 = vector.shape_cast %reduce_max3A_349 : vector<512xf32> to vector<512x1xf32>
    %eq3A_351 = vector.broadcast %broadcast_in_dim3A_350 : vector<512x1xf32> to vector<512x2048xf32>
    %eq3A_352 = arith.cmpf oeq, %select_n3A_347, %eq3A_351 : vector<512x2048xf32>
    %jit3A_353 = arith.constant 2048 : i32
    %broadcast_in_dim3A_354 = vector.broadcast %jit3A_353 : i32 to vector<512x2048xi32>
    %select_n3A_355 = arith.select %eq3A_352, %iota3A, %broadcast_in_dim3A_354 : vector<512x2048xi1>, vector<512x2048xi32>
    %reduce_min3A_356 = arith.constant dense<2147483647> : vector<512xi32>
    %reduce_min3A_357 = vector.multi_reduction <minsi>, %select_n3A_355, %reduce_min3A_356 [1] : vector<512x2048xi32> to vector<512xi32>
    %mul3A_358 = arith.constant 2048 : i32
    %mul3A_359 = arith.muli %arg0, %mul3A_358 : i32
    %add3A_360 = vector.broadcast %mul3A_359 : i32 to vector<512xi32>
    %add3A_361 = arith.addi %reduce_min3A_357, %add3A_360 : vector<512xi32>
    %swap3A_362 = arith.constant 0 : index
    %swap3A_363 = arith.constant 0 : index
    %swap3A_364 = arith.constant 13 : index
    %swap3A_365 = vector.load %arg4[%swap3A_362, %swap3A_363, %swap3A_364] : memref<1x512x32xi32, #tpu.memory_space<vmem>>, vector<1x512x1xi32>
    %swap3A_366 = vector.shape_cast %swap3A_365 : vector<1x512x1xi32> to vector<512xi32>
    %swap3A_367 = vector.shape_cast %add3A_361 : vector<512xi32> to vector<1x512x1xi32>
    tpu.vector_store %arg4[%swap3A_362, %swap3A_363, %swap3A_364], %swap3A_367 {strides = array<i32>} : memref<1x512x32xi32, #tpu.memory_space<vmem>>, vector<1x512x1xi32>,
    %broadcast_in_dim3A_368 = vector.shape_cast %reduce_min3A_357 : vector<512xi32> to vector<512x1xi32>
    %eq3A_369 = vector.broadcast %broadcast_in_dim3A_368 : vector<512x1xi32> to vector<512x2048xi32>
    %eq3A_370 = arith.cmpi eq, %iota3A, %eq3A_369 : vector<512x2048xi32>
    %jit3A_371 = arith.constant -3.000000e+38 : f32
    %broadcast_in_dim3A_372 = vector.broadcast %jit3A_371 : f32 to vector<512x2048xf32>
    %select_n3A_373 = arith.select %eq3A_370, %broadcast_in_dim3A_372, %select_n3A_347 : vector<512x2048xi1>, vector<512x2048xf32>
    %reduce_max3A_374 = arith.constant dense<0xFF800000> : vector<512xf32>
    %reduce_max3A_375 = vector.multi_reduction <maximumf>, %select_n3A_373, %reduce_max3A_374 [1] : vector<512x2048xf32> to vector<512xf32>
    %broadcast_in_dim3A_376 = vector.shape_cast %reduce_max3A_375 : vector<512xf32> to vector<512x1xf32>
    %eq3A_377 = vector.broadcast %broadcast_in_dim3A_376 : vector<512x1xf32> to vector<512x2048xf32>
    %eq3A_378 = arith.cmpf oeq, %select_n3A_373, %eq3A_377 : vector<512x2048xf32>
    %jit3A_379 = arith.constant 2048 : i32
    %broadcast_in_dim3A_380 = vector.broadcast %jit3A_379 : i32 to vector<512x2048xi32>
    %select_n3A_381 = arith.select %eq3A_378, %iota3A, %broadcast_in_dim3A_380 : vector<512x2048xi1>, vector<512x2048xi32>
    %reduce_min3A_382 = arith.constant dense<2147483647> : vector<512xi32>
    %reduce_min3A_383 = vector.multi_reduction <minsi>, %select_n3A_381, %reduce_min3A_382 [1] : vector<512x2048xi32> to vector<512xi32>
    %mul3A_384 = arith.constant 2048 : i32
    %mul3A_385 = arith.muli %arg0, %mul3A_384 : i32
    %add3A_386 = vector.broadcast %mul3A_385 : i32 to vector<512xi32>
    %add3A_387 = arith.addi %reduce_min3A_383, %add3A_386 : vector<512xi32>
    %swap3A_388 = arith.constant 0 : index
    %swap3A_389 = arith.constant 0 : index
    %swap3A_390 = arith.constant 14 : index
    %swap3A_391 = vector.load %arg4[%swap3A_388, %swap3A_389, %swap3A_390] : memref<1x512x32xi32, #tpu.memory_space<vmem>>, vector<1x512x1xi32>
    %swap3A_392 = vector.shape_cast %swap3A_391 : vector<1x512x1xi32> to vector<512xi32>
    %swap3A_393 = vector.shape_cast %add3A_387 : vector<512xi32> to vector<1x512x1xi32>
    tpu.vector_store %arg4[%swap3A_388, %swap3A_389, %swap3A_390], %swap3A_393 {strides = array<i32>} : memref<1x512x32xi32, #tpu.memory_space<vmem>>, vector<1x512x1xi32>,
    %broadcast_in_dim3A_394 = vector.shape_cast %reduce_min3A_383 : vector<512xi32> to vector<512x1xi32>
    %eq3A_395 = vector.broadcast %broadcast_in_dim3A_394 : vector<512x1xi32> to vector<512x2048xi32>
    %eq3A_396 = arith.cmpi eq, %iota3A, %eq3A_395 : vector<512x2048xi32>
    %jit3A_397 = arith.constant -3.000000e+38 : f32
    %broadcast_in_dim3A_398 = vector.broadcast %jit3A_397 : f32 to vector<512x2048xf32>
    %select_n3A_399 = arith.select %eq3A_396, %broadcast_in_dim3A_398, %select_n3A_373 : vector<512x2048xi1>, vector<512x2048xf32>
    %reduce_max3A_400 = arith.constant dense<0xFF800000> : vector<512xf32>
    %reduce_max3A_401 = vector.multi_reduction <maximumf>, %select_n3A_399, %reduce_max3A_400 [1] : vector<512x2048xf32> to vector<512xf32>
    %broadcast_in_dim3A_402 = vector.shape_cast %reduce_max3A_401 : vector<512xf32> to vector<512x1xf32>
    %eq3A_403 = vector.broadcast %broadcast_in_dim3A_402 : vector<512x1xf32> to vector<512x2048xf32>
    %eq3A_404 = arith.cmpf oeq, %select_n3A_399, %eq3A_403 : vector<512x2048xf32>
    %jit3A_405 = arith.constant 2048 : i32
    %broadcast_in_dim3A_406 = vector.broadcast %jit3A_405 : i32 to vector<512x2048xi32>
    %select_n3A_407 = arith.select %eq3A_404, %iota3A, %broadcast_in_dim3A_406 : vector<512x2048xi1>, vector<512x2048xi32>
    %reduce_min3A_408 = arith.constant dense<2147483647> : vector<512xi32>
    %reduce_min3A_409 = vector.multi_reduction <minsi>, %select_n3A_407, %reduce_min3A_408 [1] : vector<512x2048xi32> to vector<512xi32>
    %mul3A_410 = arith.constant 2048 : i32
    %mul3A_411 = arith.muli %arg0, %mul3A_410 : i32
    %add3A_412 = vector.broadcast %mul3A_411 : i32 to vector<512xi32>
    %add3A_413 = arith.addi %reduce_min3A_409, %add3A_412 : vector<512xi32>
    %swap3A_414 = arith.constant 0 : index
    %swap3A_415 = arith.constant 0 : index
    %swap3A_416 = arith.constant 15 : index
    %swap3A_417 = vector.load %arg4[%swap3A_414, %swap3A_415, %swap3A_416] : memref<1x512x32xi32, #tpu.memory_space<vmem>>, vector<1x512x1xi32>
    %swap3A_418 = vector.shape_cast %swap3A_417 : vector<1x512x1xi32> to vector<512xi32>
    %swap3A_419 = vector.shape_cast %add3A_413 : vector<512xi32> to vector<1x512x1xi32>
    tpu.vector_store %arg4[%swap3A_414, %swap3A_415, %swap3A_416], %swap3A_419 {strides = array<i32>} : memref<1x512x32xi32, #tpu.memory_space<vmem>>, vector<1x512x1xi32>,
    %broadcast_in_dim3A_420 = vector.shape_cast %reduce_min3A_409 : vector<512xi32> to vector<512x1xi32>
    %eq3A_421 = vector.broadcast %broadcast_in_dim3A_420 : vector<512x1xi32> to vector<512x2048xi32>
    %eq3A_422 = arith.cmpi eq, %iota3A, %eq3A_421 : vector<512x2048xi32>
    %jit3A_423 = arith.constant -3.000000e+38 : f32
    %broadcast_in_dim3A_424 = vector.broadcast %jit3A_423 : f32 to vector<512x2048xf32>
    %select_n3A_425 = arith.select %eq3A_422, %broadcast_in_dim3A_424, %select_n3A_399 : vector<512x2048xi1>, vector<512x2048xf32>
    %reduce_max3A_426 = arith.constant dense<0xFF800000> : vector<512xf32>
    %reduce_max3A_427 = vector.multi_reduction <maximumf>, %select_n3A_425, %reduce_max3A_426 [1] : vector<512x2048xf32> to vector<512xf32>
    %broadcast_in_dim3A_428 = vector.shape_cast %reduce_max3A_427 : vector<512xf32> to vector<512x1xf32>
    %eq3A_429 = vector.broadcast %broadcast_in_dim3A_428 : vector<512x1xf32> to vector<512x2048xf32>
    %eq3A_430 = arith.cmpf oeq, %select_n3A_425, %eq3A_429 : vector<512x2048xf32>
    %jit3A_431 = arith.constant 2048 : i32
    %broadcast_in_dim3A_432 = vector.broadcast %jit3A_431 : i32 to vector<512x2048xi32>
    %select_n3A_433 = arith.select %eq3A_430, %iota3A, %broadcast_in_dim3A_432 : vector<512x2048xi1>, vector<512x2048xi32>
    %reduce_min3A_434 = arith.constant dense<2147483647> : vector<512xi32>
    %reduce_min3A_435 = vector.multi_reduction <minsi>, %select_n3A_433, %reduce_min3A_434 [1] : vector<512x2048xi32> to vector<512xi32>
    %mul3A_436 = arith.constant 2048 : i32
    %mul3A_437 = arith.muli %arg0, %mul3A_436 : i32
    %add3A_438 = vector.broadcast %mul3A_437 : i32 to vector<512xi32>
    %add3A_439 = arith.addi %reduce_min3A_435, %add3A_438 : vector<512xi32>
    %swap3A_440 = arith.constant 0 : index
    %swap3A_441 = arith.constant 0 : index
    %swap3A_442 = arith.constant 16 : index
    %swap3A_443 = vector.load %arg4[%swap3A_440, %swap3A_441, %swap3A_442] : memref<1x512x32xi32, #tpu.memory_space<vmem>>, vector<1x512x1xi32>
    %swap3A_444 = vector.shape_cast %swap3A_443 : vector<1x512x1xi32> to vector<512xi32>
    %swap3A_445 = vector.shape_cast %add3A_439 : vector<512xi32> to vector<1x512x1xi32>
    tpu.vector_store %arg4[%swap3A_440, %swap3A_441, %swap3A_442], %swap3A_445 {strides = array<i32>} : memref<1x512x32xi32, #tpu.memory_space<vmem>>, vector<1x512x1xi32>,
    %broadcast_in_dim3A_446 = vector.shape_cast %reduce_min3A_435 : vector<512xi32> to vector<512x1xi32>
    %eq3A_447 = vector.broadcast %broadcast_in_dim3A_446 : vector<512x1xi32> to vector<512x2048xi32>
    %eq3A_448 = arith.cmpi eq, %iota3A, %eq3A_447 : vector<512x2048xi32>
    %jit3A_449 = arith.constant -3.000000e+38 : f32
    %broadcast_in_dim3A_450 = vector.broadcast %jit3A_449 : f32 to vector<512x2048xf32>
    %select_n3A_451 = arith.select %eq3A_448, %broadcast_in_dim3A_450, %select_n3A_425 : vector<512x2048xi1>, vector<512x2048xf32>
    %reduce_max3A_452 = arith.constant dense<0xFF800000> : vector<512xf32>
    %reduce_max3A_453 = vector.multi_reduction <maximumf>, %select_n3A_451, %reduce_max3A_452 [1] : vector<512x2048xf32> to vector<512xf32>
    %broadcast_in_dim3A_454 = vector.shape_cast %reduce_max3A_453 : vector<512xf32> to vector<512x1xf32>
    %eq3A_455 = vector.broadcast %broadcast_in_dim3A_454 : vector<512x1xf32> to vector<512x2048xf32>
    %eq3A_456 = arith.cmpf oeq, %select_n3A_451, %eq3A_455 : vector<512x2048xf32>
    %jit3A_457 = arith.constant 2048 : i32
    %broadcast_in_dim3A_458 = vector.broadcast %jit3A_457 : i32 to vector<512x2048xi32>
    %select_n3A_459 = arith.select %eq3A_456, %iota3A, %broadcast_in_dim3A_458 : vector<512x2048xi1>, vector<512x2048xi32>
    %reduce_min3A_460 = arith.constant dense<2147483647> : vector<512xi32>
    %reduce_min3A_461 = vector.multi_reduction <minsi>, %select_n3A_459, %reduce_min3A_460 [1] : vector<512x2048xi32> to vector<512xi32>
    %mul3A_462 = arith.constant 2048 : i32
    %mul3A_463 = arith.muli %arg0, %mul3A_462 : i32
    %add3A_464 = vector.broadcast %mul3A_463 : i32 to vector<512xi32>
    %add3A_465 = arith.addi %reduce_min3A_461, %add3A_464 : vector<512xi32>
    %swap3A_466 = arith.constant 0 : index
    %swap3A_467 = arith.constant 0 : index
    %swap3A_468 = arith.constant 17 : index
    %swap3A_469 = vector.load %arg4[%swap3A_466, %swap3A_467, %swap3A_468] : memref<1x512x32xi32, #tpu.memory_space<vmem>>, vector<1x512x1xi32>
    %swap3A_470 = vector.shape_cast %swap3A_469 : vector<1x512x1xi32> to vector<512xi32>
    %swap3A_471 = vector.shape_cast %add3A_465 : vector<512xi32> to vector<1x512x1xi32>
    tpu.vector_store %arg4[%swap3A_466, %swap3A_467, %swap3A_468], %swap3A_471 {strides = array<i32>} : memref<1x512x32xi32, #tpu.memory_space<vmem>>, vector<1x512x1xi32>,
    %broadcast_in_dim3A_472 = vector.shape_cast %reduce_min3A_461 : vector<512xi32> to vector<512x1xi32>
    %eq3A_473 = vector.broadcast %broadcast_in_dim3A_472 : vector<512x1xi32> to vector<512x2048xi32>
    %eq3A_474 = arith.cmpi eq, %iota3A, %eq3A_473 : vector<512x2048xi32>
    %jit3A_475 = arith.constant -3.000000e+38 : f32
    %broadcast_in_dim3A_476 = vector.broadcast %jit3A_475 : f32 to vector<512x2048xf32>
    %select_n3A_477 = arith.select %eq3A_474, %broadcast_in_dim3A_476, %select_n3A_451 : vector<512x2048xi1>, vector<512x2048xf32>
    %reduce_max3A_478 = arith.constant dense<0xFF800000> : vector<512xf32>
    %reduce_max3A_479 = vector.multi_reduction <maximumf>, %select_n3A_477, %reduce_max3A_478 [1] : vector<512x2048xf32> to vector<512xf32>
    %broadcast_in_dim3A_480 = vector.shape_cast %reduce_max3A_479 : vector<512xf32> to vector<512x1xf32>
    %eq3A_481 = vector.broadcast %broadcast_in_dim3A_480 : vector<512x1xf32> to vector<512x2048xf32>
    %eq3A_482 = arith.cmpf oeq, %select_n3A_477, %eq3A_481 : vector<512x2048xf32>
    %jit3A_483 = arith.constant 2048 : i32
    %broadcast_in_dim3A_484 = vector.broadcast %jit3A_483 : i32 to vector<512x2048xi32>
    %select_n3A_485 = arith.select %eq3A_482, %iota3A, %broadcast_in_dim3A_484 : vector<512x2048xi1>, vector<512x2048xi32>
    %reduce_min3A_486 = arith.constant dense<2147483647> : vector<512xi32>
    %reduce_min3A_487 = vector.multi_reduction <minsi>, %select_n3A_485, %reduce_min3A_486 [1] : vector<512x2048xi32> to vector<512xi32>
    %mul3A_488 = arith.constant 2048 : i32
    %mul3A_489 = arith.muli %arg0, %mul3A_488 : i32
    %add3A_490 = vector.broadcast %mul3A_489 : i32 to vector<512xi32>
    %add3A_491 = arith.addi %reduce_min3A_487, %add3A_490 : vector<512xi32>
    %swap3A_492 = arith.constant 0 : index
    %swap3A_493 = arith.constant 0 : index
    %swap3A_494 = arith.constant 18 : index
    %swap3A_495 = vector.load %arg4[%swap3A_492, %swap3A_493, %swap3A_494] : memref<1x512x32xi32, #tpu.memory_space<vmem>>, vector<1x512x1xi32>
    %swap3A_496 = vector.shape_cast %swap3A_495 : vector<1x512x1xi32> to vector<512xi32>
    %swap3A_497 = vector.shape_cast %add3A_491 : vector<512xi32> to vector<1x512x1xi32>
    tpu.vector_store %arg4[%swap3A_492, %swap3A_493, %swap3A_494], %swap3A_497 {strides = array<i32>} : memref<1x512x32xi32, #tpu.memory_space<vmem>>, vector<1x512x1xi32>,
    %broadcast_in_dim3A_498 = vector.shape_cast %reduce_min3A_487 : vector<512xi32> to vector<512x1xi32>
    %eq3A_499 = vector.broadcast %broadcast_in_dim3A_498 : vector<512x1xi32> to vector<512x2048xi32>
    %eq3A_500 = arith.cmpi eq, %iota3A, %eq3A_499 : vector<512x2048xi32>
    %jit3A_501 = arith.constant -3.000000e+38 : f32
    %broadcast_in_dim3A_502 = vector.broadcast %jit3A_501 : f32 to vector<512x2048xf32>
    %select_n3A_503 = arith.select %eq3A_500, %broadcast_in_dim3A_502, %select_n3A_477 : vector<512x2048xi1>, vector<512x2048xf32>
    %reduce_max3A_504 = arith.constant dense<0xFF800000> : vector<512xf32>
    %reduce_max3A_505 = vector.multi_reduction <maximumf>, %select_n3A_503, %reduce_max3A_504 [1] : vector<512x2048xf32> to vector<512xf32>
    %broadcast_in_dim3A_506 = vector.shape_cast %reduce_max3A_505 : vector<512xf32> to vector<512x1xf32>
    %eq3A_507 = vector.broadcast %broadcast_in_dim3A_506 : vector<512x1xf32> to vector<512x2048xf32>
    %eq3A_508 = arith.cmpf oeq, %select_n3A_503, %eq3A_507 : vector<512x2048xf32>
    %jit3A_509 = arith.constant 2048 : i32
    %broadcast_in_dim3A_510 = vector.broadcast %jit3A_509 : i32 to vector<512x2048xi32>
    %select_n3A_511 = arith.select %eq3A_508, %iota3A, %broadcast_in_dim3A_510 : vector<512x2048xi1>, vector<512x2048xi32>
    %reduce_min3A_512 = arith.constant dense<2147483647> : vector<512xi32>
    %reduce_min3A_513 = vector.multi_reduction <minsi>, %select_n3A_511, %reduce_min3A_512 [1] : vector<512x2048xi32> to vector<512xi32>
    %mul3A_514 = arith.constant 2048 : i32
    %mul3A_515 = arith.muli %arg0, %mul3A_514 : i32
    %add3A_516 = vector.broadcast %mul3A_515 : i32 to vector<512xi32>
    %add3A_517 = arith.addi %reduce_min3A_513, %add3A_516 : vector<512xi32>
    %swap3A_518 = arith.constant 0 : index
    %swap3A_519 = arith.constant 0 : index
    %swap3A_520 = arith.constant 19 : index
    %swap3A_521 = vector.load %arg4[%swap3A_518, %swap3A_519, %swap3A_520] : memref<1x512x32xi32, #tpu.memory_space<vmem>>, vector<1x512x1xi32>
    %swap3A_522 = vector.shape_cast %swap3A_521 : vector<1x512x1xi32> to vector<512xi32>
    %swap3A_523 = vector.shape_cast %add3A_517 : vector<512xi32> to vector<1x512x1xi32>
    tpu.vector_store %arg4[%swap3A_518, %swap3A_519, %swap3A_520], %swap3A_523 {strides = array<i32>} : memref<1x512x32xi32, #tpu.memory_space<vmem>>, vector<1x512x1xi32>,
    return
  }
  func.func @transform_0(%arg0: i32, %arg1: i32) -> (i32, i32, i32) {
    %c0_i32 = arith.constant 0 : i32
    %c0_i32_0 = arith.constant 0 : i32
    return %arg0, %arg1, %c0_i32 : i32, i32, i32
  }
  func.func @transform_1(%arg0: i32, %arg1: i32) -> (i32, i32, i32) {
    %c0_i32 = arith.constant 0 : i32
    %c0_i32_0 = arith.constant 0 : i32
    %c0_i32_1 = arith.constant 0 : i32
    return %arg0, %c0_i32, %c0_i32_0 : i32, i32, i32
  }
  func.func @transform_2(%arg0: i32, %arg1: i32) -> (i32, i32, i32) {
    %c0_i32 = arith.constant 0 : i32
    %c0_i32_0 = arith.constant 0 : i32
    return %arg0, %arg1, %c0_i32 : i32, i32, i32
  }
}

module attributes {stable_mosaic.version = 14 : i64} {
  func.func @body(%arg0: i32, %arg1: memref<4096x16xf32, #tpu.memory_space<vmem>>, %arg2: memref<4096x16xf32, #tpu.memory_space<vmem>>, %arg3: memref<64x32xf32, #tpu.memory_space<vmem>>, %arg4: memref<1x64xf32, #tpu.memory_space<vmem>>, %arg5: memref<8x64xf32, #tpu.memory_space<vmem>>) attributes {dimension_semantics = [#tpu.dimension_semantics<arbitrary>], iteration_bounds = array<i64: 80>, scalar_prefetch = 0 : i64, scratch_operands = 0 : i64, tpu.core_type = #tpu.core_type<tc>, window_params = [{transform_indices = @transform_0, window_bounds = array<i64: 4096, 16>}, {transform_indices = @transform_1, window_bounds = array<i64: 4096, 16>}, {pipeline_mode = #tpu.pipeline_mode<synchronous>, transform_indices = @transform_2, window_bounds = array<i64: 64, 32>}, {pipeline_mode = #tpu.pipeline_mode<synchronous>, transform_indices = @transform_3, window_bounds = array<i64: 1, 64>}, {pipeline_mode = #tpu.pipeline_mode<synchronous>, transform_indices = @transform_4, window_bounds = array<i64: 8, 64>}]} {
    %get3A = arith.constant 0 : index
    %get3A_0 = arith.constant 0 : index
    %get3A_1 = vector.load %arg1[%get3A, %get3A_0] : memref<4096x16xf32, #tpu.memory_space<vmem>>, vector<4096x16xf32>
    %get3A_2 = arith.constant 0 : index
    %get3A_3 = arith.constant 0 : index
    %get3A_4 = vector.load %arg2[%get3A_2, %get3A_3] : memref<4096x16xf32, #tpu.memory_space<vmem>>, vector<4096x16xf32>
    %sub3A = arith.subf %get3A_4, %get3A_1 : vector<4096x16xf32>
    %concatenate3A = tpu.concatenate %get3A_1, %sub3A in 1 : vector<4096x16xf32>, vector<4096x16xf32> -> vector<4096x32xf32>
    %get3A_5 = arith.constant 0 : index
    %get3A_6 = arith.constant 0 : index
    %get3A_7 = vector.load %arg3[%get3A_5, %get3A_6] : memref<64x32xf32, #tpu.memory_space<vmem>>, vector<64x32xf32>
    %dot_general3A = arith.constant dense<0.000000e+00> : vector<4096x64xf32>
    %dot_general3A_8 = tpu.matmul %concatenate3A, %get3A_7, %dot_general3A {dimension_numbers = #tpu.dot_dimension_numbers<[1], [1], [0], [0], [0, 0, 1, 0], [], []>, transpose_lhs_hint = false} : vector<4096x32xf32>, vector<64x32xf32>, vector<4096x64xf32> -> vector<4096x64xf32>
    %get3A_9 = arith.constant 0 : index
    %get3A_10 = arith.constant 0 : index
    %get3A_11 = vector.load %arg4[%get3A_9, %get3A_10] : memref<1x64xf32, #tpu.memory_space<vmem>>, vector<1x64xf32>
    %add3A = vector.broadcast %get3A_11 : vector<1x64xf32> to vector<4096x64xf32>
    %add3A_12 = arith.addf %dot_general3A_8, %add3A : vector<4096x64xf32>
    %eq3A = arith.constant 0 : i32
    %eq3A_13 = arith.cmpi eq, %arg0, %eq3A : i32
    %convert_element_type3A = arith.extui %eq3A_13 : i1 to i32
    %cond3A = arith.constant 0 : i32
    %cond3A_14 = arith.cmpi ne, %convert_element_type3A, %cond3A : i32
    scf.if %cond3A_14 {
      %broadcast_in_dim3A_32 = arith.constant 0.000000e+00 : f32
      %broadcast_in_dim3A_33 = vector.broadcast %broadcast_in_dim3A_32 : f32 to vector<8x64xf32>
      %swap3A_34 = arith.constant 0 : index
      %swap3A_35 = arith.constant 0 : index
      %swap3A_36 = vector.load %arg5[%swap3A_34, %swap3A_35] : memref<8x64xf32, #tpu.memory_space<vmem>>, vector<8x64xf32>
      tpu.vector_store %arg5[%swap3A_34, %swap3A_35], %broadcast_in_dim3A_33 {strides = array<i32>} : memref<8x64xf32, #tpu.memory_space<vmem>>, vector<8x64xf32>,
    } else {
    }
    %get3A_15 = arith.constant 0 : index
    %get3A_16 = arith.constant 0 : index
    %get3A_17 = vector.load %arg5[%get3A_15, %get3A_16] : memref<8x64xf32, #tpu.memory_space<vmem>>, vector<1x64xf32>
    %reduce_sum3A = arith.constant dense<0.000000e+00> : vector<64xf32>
    %reduce_sum3A_18 = vector.multi_reduction <add>, %add3A_12, %reduce_sum3A [0] : vector<4096x64xf32> to vector<64xf32>
    %broadcast_in_dim3A = vector.shape_cast %reduce_sum3A_18 : vector<64xf32> to vector<1x64xf32>
    %add3A_19 = arith.addf %get3A_17, %broadcast_in_dim3A : vector<1x64xf32>
    %swap3A = arith.constant 0 : index
    %swap3A_20 = arith.constant 0 : index
    %swap3A_21 = vector.load %arg5[%swap3A, %swap3A_20] : memref<8x64xf32, #tpu.memory_space<vmem>>, vector<1x64xf32>
    tpu.vector_store %arg5[%swap3A, %swap3A_20], %add3A_19 {strides = array<i32>} : memref<8x64xf32, #tpu.memory_space<vmem>>, vector<1x64xf32>,
    %get3A_22 = arith.constant 1 : index
    %get3A_23 = arith.constant 0 : index
    %get3A_24 = vector.load %arg5[%get3A_22, %get3A_23] : memref<8x64xf32, #tpu.memory_space<vmem>>, vector<1x64xf32>
    %mul3A = arith.mulf %add3A_12, %add3A_12 : vector<4096x64xf32>
    %reduce_sum3A_25 = arith.constant dense<0.000000e+00> : vector<64xf32>
    %reduce_sum3A_26 = vector.multi_reduction <add>, %mul3A, %reduce_sum3A_25 [0] : vector<4096x64xf32> to vector<64xf32>
    %broadcast_in_dim3A_27 = vector.shape_cast %reduce_sum3A_26 : vector<64xf32> to vector<1x64xf32>
    %add3A_28 = arith.addf %get3A_24, %broadcast_in_dim3A_27 : vector<1x64xf32>
    %swap3A_29 = arith.constant 1 : index
    %swap3A_30 = arith.constant 0 : index
    %swap3A_31 = vector.load %arg5[%swap3A_29, %swap3A_30] : memref<8x64xf32, #tpu.memory_space<vmem>>, vector<1x64xf32>
    tpu.vector_store %arg5[%swap3A_29, %swap3A_30], %add3A_28 {strides = array<i32>} : memref<8x64xf32, #tpu.memory_space<vmem>>, vector<1x64xf32>,
    return
  }
  func.func @transform_0(%arg0: i32) -> (i32, i32) {
    %jit3A = arith.constant 4 : i32
    %eq3A = arith.constant 0 : i32
    %eq3A_0 = arith.cmpi eq, %jit3A, %eq3A : i32
    %jit3A_1 = arith.constant 1 : i32
    %select_n3A = arith.select %eq3A_0, %jit3A_1, %jit3A : i32
    %rem3A = arith.remsi %arg0, %select_n3A : i32
    %ne3A = arith.constant 0 : i32
    %ne3A_2 = arith.cmpi ne, %rem3A, %ne3A : i32
    %lt3A = arith.constant 0 : i32
    %lt3A_3 = arith.cmpi slt, %rem3A, %lt3A : i32
    %lt3A_4 = arith.constant 0 : i32
    %lt3A_5 = arith.cmpi slt, %select_n3A, %lt3A_4 : i32
    %ne3A_6 = arith.xori %lt3A_3, %lt3A_5 : i1
    %and3A = arith.andi %ne3A_6, %ne3A_2 : i1
    %add3A = arith.addi %rem3A, %select_n3A : i32
    %select_n3A_7 = arith.select %and3A, %add3A, %rem3A : i32
    %c0_i32 = arith.constant 0 : i32
    %c0_i32_8 = arith.constant 0 : i32
    return %select_n3A_7, %c0_i32 : i32, i32
  }
  func.func @transform_1(%arg0: i32) -> (i32, i32) {
    %c0_i32 = arith.constant 0 : i32
    %c0_i32_0 = arith.constant 0 : i32
    return %arg0, %c0_i32 : i32, i32
  }
  func.func @transform_2(%arg0: i32) -> (i32, i32) {
    %c0_i32 = arith.constant 0 : i32
    %c0_i32_0 = arith.constant 0 : i32
    %c0_i32_1 = arith.constant 0 : i32
    return %c0_i32, %c0_i32_0 : i32, i32
  }
  func.func @transform_3(%arg0: i32) -> (i32, i32) {
    %c0_i32 = arith.constant 0 : i32
    %c0_i32_0 = arith.constant 0 : i32
    %c0_i32_1 = arith.constant 0 : i32
    return %c0_i32, %c0_i32_0 : i32, i32
  }
  func.func @transform_4(%arg0: i32) -> (i32, i32) {
    %c0_i32 = arith.constant 0 : i32
    %c0_i32_0 = arith.constant 0 : i32
    %c0_i32_1 = arith.constant 0 : i32
    return %c0_i32, %c0_i32_0 : i32, i32
  }
}

module attributes {stable_mosaic.version = 14 : i64} {
  func.func @body(%arg0: i32, %arg1: memref<4096x16xf32, #tpu.memory_space<vmem>>, %arg2: memref<4096x16xf32, #tpu.memory_space<vmem>>, %arg3: memref<64x32xf32, #tpu.memory_space<vmem>>, %arg4: memref<1x64xf32, #tpu.memory_space<vmem>>, %arg5: memref<8x64xf32, #tpu.memory_space<vmem>>, %arg6: memref<1x64xf32, #tpu.memory_space<vmem>>, %arg7: memref<1x64xf32, #tpu.memory_space<vmem>>, %arg8: memref<64x64xf32, #tpu.memory_space<vmem>>, %arg9: memref<1x64xf32, #tpu.memory_space<vmem>>, %arg10: memref<8x64xf32, #tpu.memory_space<vmem>>) attributes {dimension_semantics = [#tpu.dimension_semantics<arbitrary>], iteration_bounds = array<i64: 80>, scalar_prefetch = 0 : i64, scratch_operands = 0 : i64, tpu.core_type = #tpu.core_type<tc>, window_params = [{transform_indices = @transform_0, window_bounds = array<i64: 4096, 16>}, {transform_indices = @transform_1, window_bounds = array<i64: 4096, 16>}, {pipeline_mode = #tpu.pipeline_mode<synchronous>, transform_indices = @transform_2, window_bounds = array<i64: 64, 32>}, {pipeline_mode = #tpu.pipeline_mode<synchronous>, transform_indices = @transform_3, window_bounds = array<i64: 1, 64>}, {pipeline_mode = #tpu.pipeline_mode<synchronous>, transform_indices = @transform_4, window_bounds = array<i64: 8, 64>}, {pipeline_mode = #tpu.pipeline_mode<synchronous>, transform_indices = @transform_5, window_bounds = array<i64: 1, 64>}, {pipeline_mode = #tpu.pipeline_mode<synchronous>, transform_indices = @transform_6, window_bounds = array<i64: 1, 64>}, {pipeline_mode = #tpu.pipeline_mode<synchronous>, transform_indices = @transform_7, window_bounds = array<i64: 64, 64>}, {pipeline_mode = #tpu.pipeline_mode<synchronous>, transform_indices = @transform_8, window_bounds = array<i64: 1, 64>}, {pipeline_mode = #tpu.pipeline_mode<synchronous>, transform_indices = @transform_9, window_bounds = array<i64: 8, 64>}]} {
    %get3A = arith.constant 0 : index
    %get3A_0 = arith.constant 0 : index
    %get3A_1 = vector.load %arg1[%get3A, %get3A_0] : memref<4096x16xf32, #tpu.memory_space<vmem>>, vector<4096x16xf32>
    %get3A_2 = arith.constant 0 : index
    %get3A_3 = arith.constant 0 : index
    %get3A_4 = vector.load %arg2[%get3A_2, %get3A_3] : memref<4096x16xf32, #tpu.memory_space<vmem>>, vector<4096x16xf32>
    %sub3A = arith.subf %get3A_4, %get3A_1 : vector<4096x16xf32>
    %concatenate3A = tpu.concatenate %get3A_1, %sub3A in 1 : vector<4096x16xf32>, vector<4096x16xf32> -> vector<4096x32xf32>
    %get3A_5 = arith.constant 0 : index
    %get3A_6 = arith.constant 0 : index
    %get3A_7 = vector.load %arg3[%get3A_5, %get3A_6] : memref<64x32xf32, #tpu.memory_space<vmem>>, vector<64x32xf32>
    %dot_general3A = arith.constant dense<0.000000e+00> : vector<4096x64xf32>
    %dot_general3A_8 = tpu.matmul %concatenate3A, %get3A_7, %dot_general3A {dimension_numbers = #tpu.dot_dimension_numbers<[1], [1], [0], [0], [0, 0, 1, 0], [], []>, transpose_lhs_hint = false} : vector<4096x32xf32>, vector<64x32xf32>, vector<4096x64xf32> -> vector<4096x64xf32>
    %get3A_9 = arith.constant 0 : index
    %get3A_10 = arith.constant 0 : index
    %get3A_11 = vector.load %arg4[%get3A_9, %get3A_10] : memref<1x64xf32, #tpu.memory_space<vmem>>, vector<1x64xf32>
    %add3A = vector.broadcast %get3A_11 : vector<1x64xf32> to vector<4096x64xf32>
    %add3A_12 = arith.addf %dot_general3A_8, %add3A : vector<4096x64xf32>
    %get3A_13 = arith.constant 0 : index
    %get3A_14 = arith.constant 0 : index
    %get3A_15 = vector.load %arg5[%get3A_13, %get3A_14] : memref<8x64xf32, #tpu.memory_space<vmem>>, vector<1x64xf32>
    %div3A = arith.constant 3.276800e+05 : f32
    %div3A_16 = vector.broadcast %div3A : f32 to vector<1x64xf32>
    %div3A_17 = arith.divf %get3A_15, %div3A_16 : vector<1x64xf32>
    %get3A_18 = arith.constant 1 : index
    %get3A_19 = arith.constant 0 : index
    %get3A_20 = vector.load %arg5[%get3A_18, %get3A_19] : memref<8x64xf32, #tpu.memory_space<vmem>>, vector<1x64xf32>
    %div3A_21 = arith.constant 3.276800e+05 : f32
    %div3A_22 = vector.broadcast %div3A_21 : f32 to vector<1x64xf32>
    %div3A_23 = arith.divf %get3A_20, %div3A_22 : vector<1x64xf32>
    %mul3A = arith.mulf %div3A_17, %div3A_17 : vector<1x64xf32>
    %sub3A_24 = arith.subf %div3A_23, %mul3A : vector<1x64xf32>
    %sub3A_25 = vector.broadcast %div3A_17 : vector<1x64xf32> to vector<4096x64xf32>
    %sub3A_26 = arith.subf %add3A_12, %sub3A_25 : vector<4096x64xf32>
    %add3A_27 = arith.constant 9.99999974E-6 : f32
    %add3A_28 = vector.broadcast %add3A_27 : f32 to vector<1x64xf32>
    %add3A_29 = arith.addf %sub3A_24, %add3A_28 : vector<1x64xf32>
    %sqrt3A = math.sqrt %add3A_29 : vector<1x64xf32>
    %div3A_30 = vector.broadcast %sqrt3A : vector<1x64xf32> to vector<4096x64xf32>
    %div3A_31 = arith.divf %sub3A_26, %div3A_30 : vector<4096x64xf32>
    %get3A_32 = arith.constant 0 : index
    %get3A_33 = arith.constant 0 : index
    %get3A_34 = vector.load %arg6[%get3A_32, %get3A_33] : memref<1x64xf32, #tpu.memory_space<vmem>>, vector<1x64xf32>
    %mul3A_35 = vector.broadcast %get3A_34 : vector<1x64xf32> to vector<4096x64xf32>
    %mul3A_36 = arith.mulf %div3A_31, %mul3A_35 : vector<4096x64xf32>
    %get3A_37 = arith.constant 0 : index
    %get3A_38 = arith.constant 0 : index
    %get3A_39 = vector.load %arg7[%get3A_37, %get3A_38] : memref<1x64xf32, #tpu.memory_space<vmem>>, vector<1x64xf32>
    %add3A_40 = vector.broadcast %get3A_39 : vector<1x64xf32> to vector<4096x64xf32>
    %add3A_41 = arith.addf %mul3A_36, %add3A_40 : vector<4096x64xf32>
    %max3A = arith.constant 0.000000e+00 : f32
    %max3A_42 = vector.broadcast %max3A : f32 to vector<4096x64xf32>
    %max3A_43 = arith.maximumf %add3A_41, %max3A_42 : vector<4096x64xf32>
    %get3A_44 = arith.constant 0 : index
    %get3A_45 = arith.constant 0 : index
    %get3A_46 = vector.load %arg8[%get3A_44, %get3A_45] : memref<64x64xf32, #tpu.memory_space<vmem>>, vector<64x64xf32>
    %dot_general3A_47 = arith.constant dense<0.000000e+00> : vector<4096x64xf32>
    %dot_general3A_48 = tpu.matmul %max3A_43, %get3A_46, %dot_general3A_47 {dimension_numbers = #tpu.dot_dimension_numbers<[1], [1], [0], [0], [0, 0, 1, 0], [], []>, transpose_lhs_hint = false} : vector<4096x64xf32>, vector<64x64xf32>, vector<4096x64xf32> -> vector<4096x64xf32>
    %get3A_49 = arith.constant 0 : index
    %get3A_50 = arith.constant 0 : index
    %get3A_51 = vector.load %arg9[%get3A_49, %get3A_50] : memref<1x64xf32, #tpu.memory_space<vmem>>, vector<1x64xf32>
    %add3A_52 = vector.broadcast %get3A_51 : vector<1x64xf32> to vector<4096x64xf32>
    %add3A_53 = arith.addf %dot_general3A_48, %add3A_52 : vector<4096x64xf32>
    %eq3A = arith.constant 0 : i32
    %eq3A_54 = arith.cmpi eq, %arg0, %eq3A : i32
    %convert_element_type3A = arith.extui %eq3A_54 : i1 to i32
    %cond3A = arith.constant 0 : i32
    %cond3A_55 = arith.cmpi ne, %convert_element_type3A, %cond3A : i32
    scf.if %cond3A_55 {
      %broadcast_in_dim3A_74 = arith.constant 0.000000e+00 : f32
      %broadcast_in_dim3A_75 = vector.broadcast %broadcast_in_dim3A_74 : f32 to vector<8x64xf32>
      %swap3A_76 = arith.constant 0 : index
      %swap3A_77 = arith.constant 0 : index
      %swap3A_78 = vector.load %arg10[%swap3A_76, %swap3A_77] : memref<8x64xf32, #tpu.memory_space<vmem>>, vector<8x64xf32>
      tpu.vector_store %arg10[%swap3A_76, %swap3A_77], %broadcast_in_dim3A_75 {strides = array<i32>} : memref<8x64xf32, #tpu.memory_space<vmem>>, vector<8x64xf32>,
    } else {
    }
    %get3A_56 = arith.constant 0 : index
    %get3A_57 = arith.constant 0 : index
    %get3A_58 = vector.load %arg10[%get3A_56, %get3A_57] : memref<8x64xf32, #tpu.memory_space<vmem>>, vector<1x64xf32>
    %reduce_sum3A = arith.constant dense<0.000000e+00> : vector<64xf32>
    %reduce_sum3A_59 = vector.multi_reduction <add>, %add3A_53, %reduce_sum3A [0] : vector<4096x64xf32> to vector<64xf32>
    %broadcast_in_dim3A = vector.shape_cast %reduce_sum3A_59 : vector<64xf32> to vector<1x64xf32>
    %add3A_60 = arith.addf %get3A_58, %broadcast_in_dim3A : vector<1x64xf32>
    %swap3A = arith.constant 0 : index
    %swap3A_61 = arith.constant 0 : index
    %swap3A_62 = vector.load %arg10[%swap3A, %swap3A_61] : memref<8x64xf32, #tpu.memory_space<vmem>>, vector<1x64xf32>
    tpu.vector_store %arg10[%swap3A, %swap3A_61], %add3A_60 {strides = array<i32>} : memref<8x64xf32, #tpu.memory_space<vmem>>, vector<1x64xf32>,
    %get3A_63 = arith.constant 1 : index
    %get3A_64 = arith.constant 0 : index
    %get3A_65 = vector.load %arg10[%get3A_63, %get3A_64] : memref<8x64xf32, #tpu.memory_space<vmem>>, vector<1x64xf32>
    %mul3A_66 = arith.mulf %add3A_53, %add3A_53 : vector<4096x64xf32>
    %reduce_sum3A_67 = arith.constant dense<0.000000e+00> : vector<64xf32>
    %reduce_sum3A_68 = vector.multi_reduction <add>, %mul3A_66, %reduce_sum3A_67 [0] : vector<4096x64xf32> to vector<64xf32>
    %broadcast_in_dim3A_69 = vector.shape_cast %reduce_sum3A_68 : vector<64xf32> to vector<1x64xf32>
    %add3A_70 = arith.addf %get3A_65, %broadcast_in_dim3A_69 : vector<1x64xf32>
    %swap3A_71 = arith.constant 1 : index
    %swap3A_72 = arith.constant 0 : index
    %swap3A_73 = vector.load %arg10[%swap3A_71, %swap3A_72] : memref<8x64xf32, #tpu.memory_space<vmem>>, vector<1x64xf32>
    tpu.vector_store %arg10[%swap3A_71, %swap3A_72], %add3A_70 {strides = array<i32>} : memref<8x64xf32, #tpu.memory_space<vmem>>, vector<1x64xf32>,
    return
  }
  func.func @transform_0(%arg0: i32) -> (i32, i32) {
    %jit3A = arith.constant 4 : i32
    %eq3A = arith.constant 0 : i32
    %eq3A_0 = arith.cmpi eq, %jit3A, %eq3A : i32
    %jit3A_1 = arith.constant 1 : i32
    %select_n3A = arith.select %eq3A_0, %jit3A_1, %jit3A : i32
    %rem3A = arith.remsi %arg0, %select_n3A : i32
    %ne3A = arith.constant 0 : i32
    %ne3A_2 = arith.cmpi ne, %rem3A, %ne3A : i32
    %lt3A = arith.constant 0 : i32
    %lt3A_3 = arith.cmpi slt, %rem3A, %lt3A : i32
    %lt3A_4 = arith.constant 0 : i32
    %lt3A_5 = arith.cmpi slt, %select_n3A, %lt3A_4 : i32
    %ne3A_6 = arith.xori %lt3A_3, %lt3A_5 : i1
    %and3A = arith.andi %ne3A_6, %ne3A_2 : i1
    %add3A = arith.addi %rem3A, %select_n3A : i32
    %select_n3A_7 = arith.select %and3A, %add3A, %rem3A : i32
    %c0_i32 = arith.constant 0 : i32
    %c0_i32_8 = arith.constant 0 : i32
    return %select_n3A_7, %c0_i32 : i32, i32
  }
  func.func @transform_1(%arg0: i32) -> (i32, i32) {
    %c0_i32 = arith.constant 0 : i32
    %c0_i32_0 = arith.constant 0 : i32
    return %arg0, %c0_i32 : i32, i32
  }
  func.func @transform_2(%arg0: i32) -> (i32, i32) {
    %c0_i32 = arith.constant 0 : i32
    %c0_i32_0 = arith.constant 0 : i32
    %c0_i32_1 = arith.constant 0 : i32
    return %c0_i32, %c0_i32_0 : i32, i32
  }
  func.func @transform_3(%arg0: i32) -> (i32, i32) {
    %c0_i32 = arith.constant 0 : i32
    %c0_i32_0 = arith.constant 0 : i32
    %c0_i32_1 = arith.constant 0 : i32
    return %c0_i32, %c0_i32_0 : i32, i32
  }
  func.func @transform_4(%arg0: i32) -> (i32, i32) {
    %c0_i32 = arith.constant 0 : i32
    %c0_i32_0 = arith.constant 0 : i32
    %c0_i32_1 = arith.constant 0 : i32
    return %c0_i32, %c0_i32_0 : i32, i32
  }
  func.func @transform_5(%arg0: i32) -> (i32, i32) {
    %c0_i32 = arith.constant 0 : i32
    %c0_i32_0 = arith.constant 0 : i32
    %c0_i32_1 = arith.constant 0 : i32
    return %c0_i32, %c0_i32_0 : i32, i32
  }
  func.func @transform_6(%arg0: i32) -> (i32, i32) {
    %c0_i32 = arith.constant 0 : i32
    %c0_i32_0 = arith.constant 0 : i32
    %c0_i32_1 = arith.constant 0 : i32
    return %c0_i32, %c0_i32_0 : i32, i32
  }
  func.func @transform_7(%arg0: i32) -> (i32, i32) {
    %c0_i32 = arith.constant 0 : i32
    %c0_i32_0 = arith.constant 0 : i32
    %c0_i32_1 = arith.constant 0 : i32
    return %c0_i32, %c0_i32_0 : i32, i32
  }
  func.func @transform_8(%arg0: i32) -> (i32, i32) {
    %c0_i32 = arith.constant 0 : i32
    %c0_i32_0 = arith.constant 0 : i32
    %c0_i32_1 = arith.constant 0 : i32
    return %c0_i32, %c0_i32_0 : i32, i32
  }
  func.func @transform_9(%arg0: i32) -> (i32, i32) {
    %c0_i32 = arith.constant 0 : i32
    %c0_i32_0 = arith.constant 0 : i32
    %c0_i32_1 = arith.constant 0 : i32
    return %c0_i32, %c0_i32_0 : i32, i32
  }
}

module attributes {stable_mosaic.version = 14 : i64} {
  func.func @body(%arg0: i32, %arg1: memref<4096x16xf32, #tpu.memory_space<vmem>>, %arg2: memref<4096x16xf32, #tpu.memory_space<vmem>>, %arg3: memref<64x32xf32, #tpu.memory_space<vmem>>, %arg4: memref<1x64xf32, #tpu.memory_space<vmem>>, %arg5: memref<8x64xf32, #tpu.memory_space<vmem>>, %arg6: memref<1x64xf32, #tpu.memory_space<vmem>>, %arg7: memref<1x64xf32, #tpu.memory_space<vmem>>, %arg8: memref<64x64xf32, #tpu.memory_space<vmem>>, %arg9: memref<1x64xf32, #tpu.memory_space<vmem>>, %arg10: memref<8x64xf32, #tpu.memory_space<vmem>>, %arg11: memref<1x64xf32, #tpu.memory_space<vmem>>, %arg12: memref<1x64xf32, #tpu.memory_space<vmem>>, %arg13: memref<128x64xf32, #tpu.memory_space<vmem>>, %arg14: memref<1x128xf32, #tpu.memory_space<vmem>>, %arg15: memref<8x128xf32, #tpu.memory_space<vmem>>) attributes {dimension_semantics = [#tpu.dimension_semantics<arbitrary>], iteration_bounds = array<i64: 80>, scalar_prefetch = 0 : i64, scratch_operands = 0 : i64, tpu.core_type = #tpu.core_type<tc>, window_params = [{transform_indices = @transform_0, window_bounds = array<i64: 4096, 16>}, {transform_indices = @transform_1, window_bounds = array<i64: 4096, 16>}, {pipeline_mode = #tpu.pipeline_mode<synchronous>, transform_indices = @transform_2, window_bounds = array<i64: 64, 32>}, {pipeline_mode = #tpu.pipeline_mode<synchronous>, transform_indices = @transform_3, window_bounds = array<i64: 1, 64>}, {pipeline_mode = #tpu.pipeline_mode<synchronous>, transform_indices = @transform_4, window_bounds = array<i64: 8, 64>}, {pipeline_mode = #tpu.pipeline_mode<synchronous>, transform_indices = @transform_5, window_bounds = array<i64: 1, 64>}, {pipeline_mode = #tpu.pipeline_mode<synchronous>, transform_indices = @transform_6, window_bounds = array<i64: 1, 64>}, {pipeline_mode = #tpu.pipeline_mode<synchronous>, transform_indices = @transform_7, window_bounds = array<i64: 64, 64>}, {pipeline_mode = #tpu.pipeline_mode<synchronous>, transform_indices = @transform_8, window_bounds = array<i64: 1, 64>}, {pipeline_mode = #tpu.pipeline_mode<synchronous>, transform_indices = @transform_9, window_bounds = array<i64: 8, 64>}, {pipeline_mode = #tpu.pipeline_mode<synchronous>, transform_indices = @transform_10, window_bounds = array<i64: 1, 64>}, {pipeline_mode = #tpu.pipeline_mode<synchronous>, transform_indices = @transform_11, window_bounds = array<i64: 1, 64>}, {pipeline_mode = #tpu.pipeline_mode<synchronous>, transform_indices = @transform_12, window_bounds = array<i64: 128, 64>}, {pipeline_mode = #tpu.pipeline_mode<synchronous>, transform_indices = @transform_13, window_bounds = array<i64: 1, 128>}, {pipeline_mode = #tpu.pipeline_mode<synchronous>, transform_indices = @transform_14, window_bounds = array<i64: 8, 128>}]} {
    %get3A = arith.constant 0 : index
    %get3A_0 = arith.constant 0 : index
    %get3A_1 = vector.load %arg1[%get3A, %get3A_0] : memref<4096x16xf32, #tpu.memory_space<vmem>>, vector<4096x16xf32>
    %get3A_2 = arith.constant 0 : index
    %get3A_3 = arith.constant 0 : index
    %get3A_4 = vector.load %arg2[%get3A_2, %get3A_3] : memref<4096x16xf32, #tpu.memory_space<vmem>>, vector<4096x16xf32>
    %sub3A = arith.subf %get3A_4, %get3A_1 : vector<4096x16xf32>
    %concatenate3A = tpu.concatenate %get3A_1, %sub3A in 1 : vector<4096x16xf32>, vector<4096x16xf32> -> vector<4096x32xf32>
    %get3A_5 = arith.constant 0 : index
    %get3A_6 = arith.constant 0 : index
    %get3A_7 = vector.load %arg3[%get3A_5, %get3A_6] : memref<64x32xf32, #tpu.memory_space<vmem>>, vector<64x32xf32>
    %dot_general3A = arith.constant dense<0.000000e+00> : vector<4096x64xf32>
    %dot_general3A_8 = tpu.matmul %concatenate3A, %get3A_7, %dot_general3A {dimension_numbers = #tpu.dot_dimension_numbers<[1], [1], [0], [0], [0, 0, 1, 0], [], []>, transpose_lhs_hint = false} : vector<4096x32xf32>, vector<64x32xf32>, vector<4096x64xf32> -> vector<4096x64xf32>
    %get3A_9 = arith.constant 0 : index
    %get3A_10 = arith.constant 0 : index
    %get3A_11 = vector.load %arg4[%get3A_9, %get3A_10] : memref<1x64xf32, #tpu.memory_space<vmem>>, vector<1x64xf32>
    %add3A = vector.broadcast %get3A_11 : vector<1x64xf32> to vector<4096x64xf32>
    %add3A_12 = arith.addf %dot_general3A_8, %add3A : vector<4096x64xf32>
    %get3A_13 = arith.constant 0 : index
    %get3A_14 = arith.constant 0 : index
    %get3A_15 = vector.load %arg5[%get3A_13, %get3A_14] : memref<8x64xf32, #tpu.memory_space<vmem>>, vector<1x64xf32>
    %div3A = arith.constant 3.276800e+05 : f32
    %div3A_16 = vector.broadcast %div3A : f32 to vector<1x64xf32>
    %div3A_17 = arith.divf %get3A_15, %div3A_16 : vector<1x64xf32>
    %get3A_18 = arith.constant 1 : index
    %get3A_19 = arith.constant 0 : index
    %get3A_20 = vector.load %arg5[%get3A_18, %get3A_19] : memref<8x64xf32, #tpu.memory_space<vmem>>, vector<1x64xf32>
    %div3A_21 = arith.constant 3.276800e+05 : f32
    %div3A_22 = vector.broadcast %div3A_21 : f32 to vector<1x64xf32>
    %div3A_23 = arith.divf %get3A_20, %div3A_22 : vector<1x64xf32>
    %mul3A = arith.mulf %div3A_17, %div3A_17 : vector<1x64xf32>
    %sub3A_24 = arith.subf %div3A_23, %mul3A : vector<1x64xf32>
    %sub3A_25 = vector.broadcast %div3A_17 : vector<1x64xf32> to vector<4096x64xf32>
    %sub3A_26 = arith.subf %add3A_12, %sub3A_25 : vector<4096x64xf32>
    %add3A_27 = arith.constant 9.99999974E-6 : f32
    %add3A_28 = vector.broadcast %add3A_27 : f32 to vector<1x64xf32>
    %add3A_29 = arith.addf %sub3A_24, %add3A_28 : vector<1x64xf32>
    %sqrt3A = math.sqrt %add3A_29 : vector<1x64xf32>
    %div3A_30 = vector.broadcast %sqrt3A : vector<1x64xf32> to vector<4096x64xf32>
    %div3A_31 = arith.divf %sub3A_26, %div3A_30 : vector<4096x64xf32>
    %get3A_32 = arith.constant 0 : index
    %get3A_33 = arith.constant 0 : index
    %get3A_34 = vector.load %arg6[%get3A_32, %get3A_33] : memref<1x64xf32, #tpu.memory_space<vmem>>, vector<1x64xf32>
    %mul3A_35 = vector.broadcast %get3A_34 : vector<1x64xf32> to vector<4096x64xf32>
    %mul3A_36 = arith.mulf %div3A_31, %mul3A_35 : vector<4096x64xf32>
    %get3A_37 = arith.constant 0 : index
    %get3A_38 = arith.constant 0 : index
    %get3A_39 = vector.load %arg7[%get3A_37, %get3A_38] : memref<1x64xf32, #tpu.memory_space<vmem>>, vector<1x64xf32>
    %add3A_40 = vector.broadcast %get3A_39 : vector<1x64xf32> to vector<4096x64xf32>
    %add3A_41 = arith.addf %mul3A_36, %add3A_40 : vector<4096x64xf32>
    %max3A = arith.constant 0.000000e+00 : f32
    %max3A_42 = vector.broadcast %max3A : f32 to vector<4096x64xf32>
    %max3A_43 = arith.maximumf %add3A_41, %max3A_42 : vector<4096x64xf32>
    %get3A_44 = arith.constant 0 : index
    %get3A_45 = arith.constant 0 : index
    %get3A_46 = vector.load %arg8[%get3A_44, %get3A_45] : memref<64x64xf32, #tpu.memory_space<vmem>>, vector<64x64xf32>
    %dot_general3A_47 = arith.constant dense<0.000000e+00> : vector<4096x64xf32>
    %dot_general3A_48 = tpu.matmul %max3A_43, %get3A_46, %dot_general3A_47 {dimension_numbers = #tpu.dot_dimension_numbers<[1], [1], [0], [0], [0, 0, 1, 0], [], []>, transpose_lhs_hint = false} : vector<4096x64xf32>, vector<64x64xf32>, vector<4096x64xf32> -> vector<4096x64xf32>
    %get3A_49 = arith.constant 0 : index
    %get3A_50 = arith.constant 0 : index
    %get3A_51 = vector.load %arg9[%get3A_49, %get3A_50] : memref<1x64xf32, #tpu.memory_space<vmem>>, vector<1x64xf32>
    %add3A_52 = vector.broadcast %get3A_51 : vector<1x64xf32> to vector<4096x64xf32>
    %add3A_53 = arith.addf %dot_general3A_48, %add3A_52 : vector<4096x64xf32>
    %get3A_54 = arith.constant 0 : index
    %get3A_55 = arith.constant 0 : index
    %get3A_56 = vector.load %arg10[%get3A_54, %get3A_55] : memref<8x64xf32, #tpu.memory_space<vmem>>, vector<1x64xf32>
    %div3A_57 = arith.constant 3.276800e+05 : f32
    %div3A_58 = vector.broadcast %div3A_57 : f32 to vector<1x64xf32>
    %div3A_59 = arith.divf %get3A_56, %div3A_58 : vector<1x64xf32>
    %get3A_60 = arith.constant 1 : index
    %get3A_61 = arith.constant 0 : index
    %get3A_62 = vector.load %arg10[%get3A_60, %get3A_61] : memref<8x64xf32, #tpu.memory_space<vmem>>, vector<1x64xf32>
    %div3A_63 = arith.constant 3.276800e+05 : f32
    %div3A_64 = vector.broadcast %div3A_63 : f32 to vector<1x64xf32>
    %div3A_65 = arith.divf %get3A_62, %div3A_64 : vector<1x64xf32>
    %mul3A_66 = arith.mulf %div3A_59, %div3A_59 : vector<1x64xf32>
    %sub3A_67 = arith.subf %div3A_65, %mul3A_66 : vector<1x64xf32>
    %sub3A_68 = vector.broadcast %div3A_59 : vector<1x64xf32> to vector<4096x64xf32>
    %sub3A_69 = arith.subf %add3A_53, %sub3A_68 : vector<4096x64xf32>
    %add3A_70 = arith.constant 9.99999974E-6 : f32
    %add3A_71 = vector.broadcast %add3A_70 : f32 to vector<1x64xf32>
    %add3A_72 = arith.addf %sub3A_67, %add3A_71 : vector<1x64xf32>
    %sqrt3A_73 = math.sqrt %add3A_72 : vector<1x64xf32>
    %div3A_74 = vector.broadcast %sqrt3A_73 : vector<1x64xf32> to vector<4096x64xf32>
    %div3A_75 = arith.divf %sub3A_69, %div3A_74 : vector<4096x64xf32>
    %get3A_76 = arith.constant 0 : index
    %get3A_77 = arith.constant 0 : index
    %get3A_78 = vector.load %arg11[%get3A_76, %get3A_77] : memref<1x64xf32, #tpu.memory_space<vmem>>, vector<1x64xf32>
    %mul3A_79 = vector.broadcast %get3A_78 : vector<1x64xf32> to vector<4096x64xf32>
    %mul3A_80 = arith.mulf %div3A_75, %mul3A_79 : vector<4096x64xf32>
    %get3A_81 = arith.constant 0 : index
    %get3A_82 = arith.constant 0 : index
    %get3A_83 = vector.load %arg12[%get3A_81, %get3A_82] : memref<1x64xf32, #tpu.memory_space<vmem>>, vector<1x64xf32>
    %add3A_84 = vector.broadcast %get3A_83 : vector<1x64xf32> to vector<4096x64xf32>
    %add3A_85 = arith.addf %mul3A_80, %add3A_84 : vector<4096x64xf32>
    %max3A_86 = arith.constant 0.000000e+00 : f32
    %max3A_87 = vector.broadcast %max3A_86 : f32 to vector<4096x64xf32>
    %max3A_88 = arith.maximumf %add3A_85, %max3A_87 : vector<4096x64xf32>
    %get3A_89 = arith.constant 0 : index
    %get3A_90 = arith.constant 0 : index
    %get3A_91 = vector.load %arg13[%get3A_89, %get3A_90] : memref<128x64xf32, #tpu.memory_space<vmem>>, vector<128x64xf32>
    %dot_general3A_92 = arith.constant dense<0.000000e+00> : vector<4096x128xf32>
    %dot_general3A_93 = tpu.matmul %max3A_88, %get3A_91, %dot_general3A_92 {dimension_numbers = #tpu.dot_dimension_numbers<[1], [1], [0], [0], [0, 0, 1, 0], [], []>, transpose_lhs_hint = false} : vector<4096x64xf32>, vector<128x64xf32>, vector<4096x128xf32> -> vector<4096x128xf32>
    %get3A_94 = arith.constant 0 : index
    %get3A_95 = arith.constant 0 : index
    %get3A_96 = vector.load %arg14[%get3A_94, %get3A_95] : memref<1x128xf32, #tpu.memory_space<vmem>>, vector<1x128xf32>
    %add3A_97 = vector.broadcast %get3A_96 : vector<1x128xf32> to vector<4096x128xf32>
    %add3A_98 = arith.addf %dot_general3A_93, %add3A_97 : vector<4096x128xf32>
    %eq3A = arith.constant 0 : i32
    %eq3A_99 = arith.cmpi eq, %arg0, %eq3A : i32
    %convert_element_type3A = arith.extui %eq3A_99 : i1 to i32
    %cond3A = arith.constant 0 : i32
    %cond3A_100 = arith.cmpi ne, %convert_element_type3A, %cond3A : i32
    scf.if %cond3A_100 {
      %broadcast_in_dim3A_119 = arith.constant 0.000000e+00 : f32
      %broadcast_in_dim3A_120 = vector.broadcast %broadcast_in_dim3A_119 : f32 to vector<8x128xf32>
      %swap3A_121 = arith.constant 0 : index
      %swap3A_122 = arith.constant 0 : index
      %swap3A_123 = vector.load %arg15[%swap3A_121, %swap3A_122] : memref<8x128xf32, #tpu.memory_space<vmem>>, vector<8x128xf32>
      tpu.vector_store %arg15[%swap3A_121, %swap3A_122], %broadcast_in_dim3A_120 {strides = array<i32>} : memref<8x128xf32, #tpu.memory_space<vmem>>, vector<8x128xf32>,
    } else {
    }
    %get3A_101 = arith.constant 0 : index
    %get3A_102 = arith.constant 0 : index
    %get3A_103 = vector.load %arg15[%get3A_101, %get3A_102] : memref<8x128xf32, #tpu.memory_space<vmem>>, vector<1x128xf32>
    %reduce_sum3A = arith.constant dense<0.000000e+00> : vector<128xf32>
    %reduce_sum3A_104 = vector.multi_reduction <add>, %add3A_98, %reduce_sum3A [0] : vector<4096x128xf32> to vector<128xf32>
    %broadcast_in_dim3A = vector.shape_cast %reduce_sum3A_104 : vector<128xf32> to vector<1x128xf32>
    %add3A_105 = arith.addf %get3A_103, %broadcast_in_dim3A : vector<1x128xf32>
    %swap3A = arith.constant 0 : index
    %swap3A_106 = arith.constant 0 : index
    %swap3A_107 = vector.load %arg15[%swap3A, %swap3A_106] : memref<8x128xf32, #tpu.memory_space<vmem>>, vector<1x128xf32>
    tpu.vector_store %arg15[%swap3A, %swap3A_106], %add3A_105 {strides = array<i32>} : memref<8x128xf32, #tpu.memory_space<vmem>>, vector<1x128xf32>,
    %get3A_108 = arith.constant 1 : index
    %get3A_109 = arith.constant 0 : index
    %get3A_110 = vector.load %arg15[%get3A_108, %get3A_109] : memref<8x128xf32, #tpu.memory_space<vmem>>, vector<1x128xf32>
    %mul3A_111 = arith.mulf %add3A_98, %add3A_98 : vector<4096x128xf32>
    %reduce_sum3A_112 = arith.constant dense<0.000000e+00> : vector<128xf32>
    %reduce_sum3A_113 = vector.multi_reduction <add>, %mul3A_111, %reduce_sum3A_112 [0] : vector<4096x128xf32> to vector<128xf32>
    %broadcast_in_dim3A_114 = vector.shape_cast %reduce_sum3A_113 : vector<128xf32> to vector<1x128xf32>
    %add3A_115 = arith.addf %get3A_110, %broadcast_in_dim3A_114 : vector<1x128xf32>
    %swap3A_116 = arith.constant 1 : index
    %swap3A_117 = arith.constant 0 : index
    %swap3A_118 = vector.load %arg15[%swap3A_116, %swap3A_117] : memref<8x128xf32, #tpu.memory_space<vmem>>, vector<1x128xf32>
    tpu.vector_store %arg15[%swap3A_116, %swap3A_117], %add3A_115 {strides = array<i32>} : memref<8x128xf32, #tpu.memory_space<vmem>>, vector<1x128xf32>,
    return
  }
  func.func @transform_0(%arg0: i32) -> (i32, i32) {
    %jit3A = arith.constant 4 : i32
    %eq3A = arith.constant 0 : i32
    %eq3A_0 = arith.cmpi eq, %jit3A, %eq3A : i32
    %jit3A_1 = arith.constant 1 : i32
    %select_n3A = arith.select %eq3A_0, %jit3A_1, %jit3A : i32
    %rem3A = arith.remsi %arg0, %select_n3A : i32
    %ne3A = arith.constant 0 : i32
    %ne3A_2 = arith.cmpi ne, %rem3A, %ne3A : i32
    %lt3A = arith.constant 0 : i32
    %lt3A_3 = arith.cmpi slt, %rem3A, %lt3A : i32
    %lt3A_4 = arith.constant 0 : i32
    %lt3A_5 = arith.cmpi slt, %select_n3A, %lt3A_4 : i32
    %ne3A_6 = arith.xori %lt3A_3, %lt3A_5 : i1
    %and3A = arith.andi %ne3A_6, %ne3A_2 : i1
    %add3A = arith.addi %rem3A, %select_n3A : i32
    %select_n3A_7 = arith.select %and3A, %add3A, %rem3A : i32
    %c0_i32 = arith.constant 0 : i32
    %c0_i32_8 = arith.constant 0 : i32
    return %select_n3A_7, %c0_i32 : i32, i32
  }
  func.func @transform_1(%arg0: i32) -> (i32, i32) {
    %c0_i32 = arith.constant 0 : i32
    %c0_i32_0 = arith.constant 0 : i32
    return %arg0, %c0_i32 : i32, i32
  }
  func.func @transform_2(%arg0: i32) -> (i32, i32) {
    %c0_i32 = arith.constant 0 : i32
    %c0_i32_0 = arith.constant 0 : i32
    %c0_i32_1 = arith.constant 0 : i32
    return %c0_i32, %c0_i32_0 : i32, i32
  }
  func.func @transform_3(%arg0: i32) -> (i32, i32) {
    %c0_i32 = arith.constant 0 : i32
    %c0_i32_0 = arith.constant 0 : i32
    %c0_i32_1 = arith.constant 0 : i32
    return %c0_i32, %c0_i32_0 : i32, i32
  }
  func.func @transform_4(%arg0: i32) -> (i32, i32) {
    %c0_i32 = arith.constant 0 : i32
    %c0_i32_0 = arith.constant 0 : i32
    %c0_i32_1 = arith.constant 0 : i32
    return %c0_i32, %c0_i32_0 : i32, i32
  }
  func.func @transform_5(%arg0: i32) -> (i32, i32) {
    %c0_i32 = arith.constant 0 : i32
    %c0_i32_0 = arith.constant 0 : i32
    %c0_i32_1 = arith.constant 0 : i32
    return %c0_i32, %c0_i32_0 : i32, i32
  }
  func.func @transform_6(%arg0: i32) -> (i32, i32) {
    %c0_i32 = arith.constant 0 : i32
    %c0_i32_0 = arith.constant 0 : i32
    %c0_i32_1 = arith.constant 0 : i32
    return %c0_i32, %c0_i32_0 : i32, i32
  }
  func.func @transform_7(%arg0: i32) -> (i32, i32) {
    %c0_i32 = arith.constant 0 : i32
    %c0_i32_0 = arith.constant 0 : i32
    %c0_i32_1 = arith.constant 0 : i32
    return %c0_i32, %c0_i32_0 : i32, i32
  }
  func.func @transform_8(%arg0: i32) -> (i32, i32) {
    %c0_i32 = arith.constant 0 : i32
    %c0_i32_0 = arith.constant 0 : i32
    %c0_i32_1 = arith.constant 0 : i32
    return %c0_i32, %c0_i32_0 : i32, i32
  }
  func.func @transform_9(%arg0: i32) -> (i32, i32) {
    %c0_i32 = arith.constant 0 : i32
    %c0_i32_0 = arith.constant 0 : i32
    %c0_i32_1 = arith.constant 0 : i32
    return %c0_i32, %c0_i32_0 : i32, i32
  }
  func.func @transform_10(%arg0: i32) -> (i32, i32) {
    %c0_i32 = arith.constant 0 : i32
    %c0_i32_0 = arith.constant 0 : i32
    %c0_i32_1 = arith.constant 0 : i32
    return %c0_i32, %c0_i32_0 : i32, i32
  }
  func.func @transform_11(%arg0: i32) -> (i32, i32) {
    %c0_i32 = arith.constant 0 : i32
    %c0_i32_0 = arith.constant 0 : i32
    %c0_i32_1 = arith.constant 0 : i32
    return %c0_i32, %c0_i32_0 : i32, i32
  }
  func.func @transform_12(%arg0: i32) -> (i32, i32) {
    %c0_i32 = arith.constant 0 : i32
    %c0_i32_0 = arith.constant 0 : i32
    %c0_i32_1 = arith.constant 0 : i32
    return %c0_i32, %c0_i32_0 : i32, i32
  }
  func.func @transform_13(%arg0: i32) -> (i32, i32) {
    %c0_i32 = arith.constant 0 : i32
    %c0_i32_0 = arith.constant 0 : i32
    %c0_i32_1 = arith.constant 0 : i32
    return %c0_i32, %c0_i32_0 : i32, i32
  }
  func.func @transform_14(%arg0: i32) -> (i32, i32) {
    %c0_i32 = arith.constant 0 : i32
    %c0_i32_0 = arith.constant 0 : i32
    %c0_i32_1 = arith.constant 0 : i32
    return %c0_i32, %c0_i32_0 : i32, i32
  }
}

module attributes {stable_mosaic.version = 14 : i64} {
  func.func @body(%arg0: i32, %arg1: i32, %arg2: memref<4096x16xf32, #tpu.memory_space<vmem>>, %arg3: memref<4096x16xf32, #tpu.memory_space<vmem>>, %arg4: memref<64x32xf32, #tpu.memory_space<vmem>>, %arg5: memref<1x64xf32, #tpu.memory_space<vmem>>, %arg6: memref<8x64xf32, #tpu.memory_space<vmem>>, %arg7: memref<1x64xf32, #tpu.memory_space<vmem>>, %arg8: memref<1x64xf32, #tpu.memory_space<vmem>>, %arg9: memref<64x64xf32, #tpu.memory_space<vmem>>, %arg10: memref<1x64xf32, #tpu.memory_space<vmem>>, %arg11: memref<8x64xf32, #tpu.memory_space<vmem>>, %arg12: memref<1x64xf32, #tpu.memory_space<vmem>>, %arg13: memref<1x64xf32, #tpu.memory_space<vmem>>, %arg14: memref<128x64xf32, #tpu.memory_space<vmem>>, %arg15: memref<1x128xf32, #tpu.memory_space<vmem>>, %arg16: memref<8x128xf32, #tpu.memory_space<vmem>>, %arg17: memref<1x128xf32, #tpu.memory_space<vmem>>, %arg18: memref<1x128xf32, #tpu.memory_space<vmem>>, %arg19: memref<128x128xf32, #tpu.memory_space<vmem>>, %arg20: memref<1x128xf32, #tpu.memory_space<vmem>>, %arg21: memref<8x128xf32, #tpu.memory_space<vmem>>, %arg22: memref<4096x128xf32, #tpu.memory_space<vmem>>) attributes {dimension_semantics = [#tpu.dimension_semantics<arbitrary>, #tpu.dimension_semantics<arbitrary>], iteration_bounds = array<i64: 4, 20>, scalar_prefetch = 0 : i64, scratch_operands = 0 : i64, tpu.core_type = #tpu.core_type<tc>, window_params = [{transform_indices = @transform_0, window_bounds = array<i64: 4096, 16>}, {transform_indices = @transform_1, window_bounds = array<i64: 4096, 16>}, {pipeline_mode = #tpu.pipeline_mode<synchronous>, transform_indices = @transform_2, window_bounds = array<i64: 64, 32>}, {pipeline_mode = #tpu.pipeline_mode<synchronous>, transform_indices = @transform_3, window_bounds = array<i64: 1, 64>}, {pipeline_mode = #tpu.pipeline_mode<synchronous>, transform_indices = @transform_4, window_bounds = array<i64: 8, 64>}, {pipeline_mode = #tpu.pipeline_mode<synchronous>, transform_indices = @transform_5, window_bounds = array<i64: 1, 64>}, {pipeline_mode = #tpu.pipeline_mode<synchronous>, transform_indices = @transform_6, window_bounds = array<i64: 1, 64>}, {pipeline_mode = #tpu.pipeline_mode<synchronous>, transform_indices = @transform_7, window_bounds = array<i64: 64, 64>}, {pipeline_mode = #tpu.pipeline_mode<synchronous>, transform_indices = @transform_8, window_bounds = array<i64: 1, 64>}, {pipeline_mode = #tpu.pipeline_mode<synchronous>, transform_indices = @transform_9, window_bounds = array<i64: 8, 64>}, {pipeline_mode = #tpu.pipeline_mode<synchronous>, transform_indices = @transform_10, window_bounds = array<i64: 1, 64>}, {pipeline_mode = #tpu.pipeline_mode<synchronous>, transform_indices = @transform_11, window_bounds = array<i64: 1, 64>}, {pipeline_mode = #tpu.pipeline_mode<synchronous>, transform_indices = @transform_12, window_bounds = array<i64: 128, 64>}, {pipeline_mode = #tpu.pipeline_mode<synchronous>, transform_indices = @transform_13, window_bounds = array<i64: 1, 128>}, {pipeline_mode = #tpu.pipeline_mode<synchronous>, transform_indices = @transform_14, window_bounds = array<i64: 8, 128>}, {pipeline_mode = #tpu.pipeline_mode<synchronous>, transform_indices = @transform_15, window_bounds = array<i64: 1, 128>}, {pipeline_mode = #tpu.pipeline_mode<synchronous>, transform_indices = @transform_16, window_bounds = array<i64: 1, 128>}, {pipeline_mode = #tpu.pipeline_mode<synchronous>, transform_indices = @transform_17, window_bounds = array<i64: 128, 128>}, {pipeline_mode = #tpu.pipeline_mode<synchronous>, transform_indices = @transform_18, window_bounds = array<i64: 1, 128>}, {pipeline_mode = #tpu.pipeline_mode<synchronous>, transform_indices = @transform_19, window_bounds = array<i64: 8, 128>}, {transform_indices = @transform_20, window_bounds = array<i64: 4096, 128>}]} {
    %get3A = arith.constant 0 : index
    %get3A_0 = arith.constant 0 : index
    %get3A_1 = vector.load %arg2[%get3A, %get3A_0] : memref<4096x16xf32, #tpu.memory_space<vmem>>, vector<4096x16xf32>
    %get3A_2 = arith.constant 0 : index
    %get3A_3 = arith.constant 0 : index
    %get3A_4 = vector.load %arg3[%get3A_2, %get3A_3] : memref<4096x16xf32, #tpu.memory_space<vmem>>, vector<4096x16xf32>
    %sub3A = arith.subf %get3A_4, %get3A_1 : vector<4096x16xf32>
    %concatenate3A = tpu.concatenate %get3A_1, %sub3A in 1 : vector<4096x16xf32>, vector<4096x16xf32> -> vector<4096x32xf32>
    %get3A_5 = arith.constant 0 : index
    %get3A_6 = arith.constant 0 : index
    %get3A_7 = vector.load %arg4[%get3A_5, %get3A_6] : memref<64x32xf32, #tpu.memory_space<vmem>>, vector<64x32xf32>
    %dot_general3A = arith.constant dense<0.000000e+00> : vector<4096x64xf32>
    %dot_general3A_8 = tpu.matmul %concatenate3A, %get3A_7, %dot_general3A {dimension_numbers = #tpu.dot_dimension_numbers<[1], [1], [0], [0], [0, 0, 1, 0], [], []>, transpose_lhs_hint = false} : vector<4096x32xf32>, vector<64x32xf32>, vector<4096x64xf32> -> vector<4096x64xf32>
    %get3A_9 = arith.constant 0 : index
    %get3A_10 = arith.constant 0 : index
    %get3A_11 = vector.load %arg5[%get3A_9, %get3A_10] : memref<1x64xf32, #tpu.memory_space<vmem>>, vector<1x64xf32>
    %add3A = vector.broadcast %get3A_11 : vector<1x64xf32> to vector<4096x64xf32>
    %add3A_12 = arith.addf %dot_general3A_8, %add3A : vector<4096x64xf32>
    %get3A_13 = arith.constant 0 : index
    %get3A_14 = arith.constant 0 : index
    %get3A_15 = vector.load %arg6[%get3A_13, %get3A_14] : memref<8x64xf32, #tpu.memory_space<vmem>>, vector<1x64xf32>
    %div3A = arith.constant 3.276800e+05 : f32
    %div3A_16 = vector.broadcast %div3A : f32 to vector<1x64xf32>
    %div3A_17 = arith.divf %get3A_15, %div3A_16 : vector<1x64xf32>
    %get3A_18 = arith.constant 1 : index
    %get3A_19 = arith.constant 0 : index
    %get3A_20 = vector.load %arg6[%get3A_18, %get3A_19] : memref<8x64xf32, #tpu.memory_space<vmem>>, vector<1x64xf32>
    %div3A_21 = arith.constant 3.276800e+05 : f32
    %div3A_22 = vector.broadcast %div3A_21 : f32 to vector<1x64xf32>
    %div3A_23 = arith.divf %get3A_20, %div3A_22 : vector<1x64xf32>
    %mul3A = arith.mulf %div3A_17, %div3A_17 : vector<1x64xf32>
    %sub3A_24 = arith.subf %div3A_23, %mul3A : vector<1x64xf32>
    %sub3A_25 = vector.broadcast %div3A_17 : vector<1x64xf32> to vector<4096x64xf32>
    %sub3A_26 = arith.subf %add3A_12, %sub3A_25 : vector<4096x64xf32>
    %add3A_27 = arith.constant 9.99999974E-6 : f32
    %add3A_28 = vector.broadcast %add3A_27 : f32 to vector<1x64xf32>
    %add3A_29 = arith.addf %sub3A_24, %add3A_28 : vector<1x64xf32>
    %sqrt3A = math.sqrt %add3A_29 : vector<1x64xf32>
    %div3A_30 = vector.broadcast %sqrt3A : vector<1x64xf32> to vector<4096x64xf32>
    %div3A_31 = arith.divf %sub3A_26, %div3A_30 : vector<4096x64xf32>
    %get3A_32 = arith.constant 0 : index
    %get3A_33 = arith.constant 0 : index
    %get3A_34 = vector.load %arg7[%get3A_32, %get3A_33] : memref<1x64xf32, #tpu.memory_space<vmem>>, vector<1x64xf32>
    %mul3A_35 = vector.broadcast %get3A_34 : vector<1x64xf32> to vector<4096x64xf32>
    %mul3A_36 = arith.mulf %div3A_31, %mul3A_35 : vector<4096x64xf32>
    %get3A_37 = arith.constant 0 : index
    %get3A_38 = arith.constant 0 : index
    %get3A_39 = vector.load %arg8[%get3A_37, %get3A_38] : memref<1x64xf32, #tpu.memory_space<vmem>>, vector<1x64xf32>
    %add3A_40 = vector.broadcast %get3A_39 : vector<1x64xf32> to vector<4096x64xf32>
    %add3A_41 = arith.addf %mul3A_36, %add3A_40 : vector<4096x64xf32>
    %max3A = arith.constant 0.000000e+00 : f32
    %max3A_42 = vector.broadcast %max3A : f32 to vector<4096x64xf32>
    %max3A_43 = arith.maximumf %add3A_41, %max3A_42 : vector<4096x64xf32>
    %get3A_44 = arith.constant 0 : index
    %get3A_45 = arith.constant 0 : index
    %get3A_46 = vector.load %arg9[%get3A_44, %get3A_45] : memref<64x64xf32, #tpu.memory_space<vmem>>, vector<64x64xf32>
    %dot_general3A_47 = arith.constant dense<0.000000e+00> : vector<4096x64xf32>
    %dot_general3A_48 = tpu.matmul %max3A_43, %get3A_46, %dot_general3A_47 {dimension_numbers = #tpu.dot_dimension_numbers<[1], [1], [0], [0], [0, 0, 1, 0], [], []>, transpose_lhs_hint = false} : vector<4096x64xf32>, vector<64x64xf32>, vector<4096x64xf32> -> vector<4096x64xf32>
    %get3A_49 = arith.constant 0 : index
    %get3A_50 = arith.constant 0 : index
    %get3A_51 = vector.load %arg10[%get3A_49, %get3A_50] : memref<1x64xf32, #tpu.memory_space<vmem>>, vector<1x64xf32>
    %add3A_52 = vector.broadcast %get3A_51 : vector<1x64xf32> to vector<4096x64xf32>
    %add3A_53 = arith.addf %dot_general3A_48, %add3A_52 : vector<4096x64xf32>
    %get3A_54 = arith.constant 0 : index
    %get3A_55 = arith.constant 0 : index
    %get3A_56 = vector.load %arg11[%get3A_54, %get3A_55] : memref<8x64xf32, #tpu.memory_space<vmem>>, vector<1x64xf32>
    %div3A_57 = arith.constant 3.276800e+05 : f32
    %div3A_58 = vector.broadcast %div3A_57 : f32 to vector<1x64xf32>
    %div3A_59 = arith.divf %get3A_56, %div3A_58 : vector<1x64xf32>
    %get3A_60 = arith.constant 1 : index
    %get3A_61 = arith.constant 0 : index
    %get3A_62 = vector.load %arg11[%get3A_60, %get3A_61] : memref<8x64xf32, #tpu.memory_space<vmem>>, vector<1x64xf32>
    %div3A_63 = arith.constant 3.276800e+05 : f32
    %div3A_64 = vector.broadcast %div3A_63 : f32 to vector<1x64xf32>
    %div3A_65 = arith.divf %get3A_62, %div3A_64 : vector<1x64xf32>
    %mul3A_66 = arith.mulf %div3A_59, %div3A_59 : vector<1x64xf32>
    %sub3A_67 = arith.subf %div3A_65, %mul3A_66 : vector<1x64xf32>
    %sub3A_68 = vector.broadcast %div3A_59 : vector<1x64xf32> to vector<4096x64xf32>
    %sub3A_69 = arith.subf %add3A_53, %sub3A_68 : vector<4096x64xf32>
    %add3A_70 = arith.constant 9.99999974E-6 : f32
    %add3A_71 = vector.broadcast %add3A_70 : f32 to vector<1x64xf32>
    %add3A_72 = arith.addf %sub3A_67, %add3A_71 : vector<1x64xf32>
    %sqrt3A_73 = math.sqrt %add3A_72 : vector<1x64xf32>
    %div3A_74 = vector.broadcast %sqrt3A_73 : vector<1x64xf32> to vector<4096x64xf32>
    %div3A_75 = arith.divf %sub3A_69, %div3A_74 : vector<4096x64xf32>
    %get3A_76 = arith.constant 0 : index
    %get3A_77 = arith.constant 0 : index
    %get3A_78 = vector.load %arg12[%get3A_76, %get3A_77] : memref<1x64xf32, #tpu.memory_space<vmem>>, vector<1x64xf32>
    %mul3A_79 = vector.broadcast %get3A_78 : vector<1x64xf32> to vector<4096x64xf32>
    %mul3A_80 = arith.mulf %div3A_75, %mul3A_79 : vector<4096x64xf32>
    %get3A_81 = arith.constant 0 : index
    %get3A_82 = arith.constant 0 : index
    %get3A_83 = vector.load %arg13[%get3A_81, %get3A_82] : memref<1x64xf32, #tpu.memory_space<vmem>>, vector<1x64xf32>
    %add3A_84 = vector.broadcast %get3A_83 : vector<1x64xf32> to vector<4096x64xf32>
    %add3A_85 = arith.addf %mul3A_80, %add3A_84 : vector<4096x64xf32>
    %max3A_86 = arith.constant 0.000000e+00 : f32
    %max3A_87 = vector.broadcast %max3A_86 : f32 to vector<4096x64xf32>
    %max3A_88 = arith.maximumf %add3A_85, %max3A_87 : vector<4096x64xf32>
    %get3A_89 = arith.constant 0 : index
    %get3A_90 = arith.constant 0 : index
    %get3A_91 = vector.load %arg14[%get3A_89, %get3A_90] : memref<128x64xf32, #tpu.memory_space<vmem>>, vector<128x64xf32>
    %dot_general3A_92 = arith.constant dense<0.000000e+00> : vector<4096x128xf32>
    %dot_general3A_93 = tpu.matmul %max3A_88, %get3A_91, %dot_general3A_92 {dimension_numbers = #tpu.dot_dimension_numbers<[1], [1], [0], [0], [0, 0, 1, 0], [], []>, transpose_lhs_hint = false} : vector<4096x64xf32>, vector<128x64xf32>, vector<4096x128xf32> -> vector<4096x128xf32>
    %get3A_94 = arith.constant 0 : index
    %get3A_95 = arith.constant 0 : index
    %get3A_96 = vector.load %arg15[%get3A_94, %get3A_95] : memref<1x128xf32, #tpu.memory_space<vmem>>, vector<1x128xf32>
    %add3A_97 = vector.broadcast %get3A_96 : vector<1x128xf32> to vector<4096x128xf32>
    %add3A_98 = arith.addf %dot_general3A_93, %add3A_97 : vector<4096x128xf32>
    %get3A_99 = arith.constant 0 : index
    %get3A_100 = arith.constant 0 : index
    %get3A_101 = vector.load %arg16[%get3A_99, %get3A_100] : memref<8x128xf32, #tpu.memory_space<vmem>>, vector<1x128xf32>
    %div3A_102 = arith.constant 3.276800e+05 : f32
    %div3A_103 = vector.broadcast %div3A_102 : f32 to vector<1x128xf32>
    %div3A_104 = arith.divf %get3A_101, %div3A_103 : vector<1x128xf32>
    %get3A_105 = arith.constant 1 : index
    %get3A_106 = arith.constant 0 : index
    %get3A_107 = vector.load %arg16[%get3A_105, %get3A_106] : memref<8x128xf32, #tpu.memory_space<vmem>>, vector<1x128xf32>
    %div3A_108 = arith.constant 3.276800e+05 : f32
    %div3A_109 = vector.broadcast %div3A_108 : f32 to vector<1x128xf32>
    %div3A_110 = arith.divf %get3A_107, %div3A_109 : vector<1x128xf32>
    %mul3A_111 = arith.mulf %div3A_104, %div3A_104 : vector<1x128xf32>
    %sub3A_112 = arith.subf %div3A_110, %mul3A_111 : vector<1x128xf32>
    %sub3A_113 = vector.broadcast %div3A_104 : vector<1x128xf32> to vector<4096x128xf32>
    %sub3A_114 = arith.subf %add3A_98, %sub3A_113 : vector<4096x128xf32>
    %add3A_115 = arith.constant 9.99999974E-6 : f32
    %add3A_116 = vector.broadcast %add3A_115 : f32 to vector<1x128xf32>
    %add3A_117 = arith.addf %sub3A_112, %add3A_116 : vector<1x128xf32>
    %sqrt3A_118 = math.sqrt %add3A_117 : vector<1x128xf32>
    %div3A_119 = vector.broadcast %sqrt3A_118 : vector<1x128xf32> to vector<4096x128xf32>
    %div3A_120 = arith.divf %sub3A_114, %div3A_119 : vector<4096x128xf32>
    %get3A_121 = arith.constant 0 : index
    %get3A_122 = arith.constant 0 : index
    %get3A_123 = vector.load %arg17[%get3A_121, %get3A_122] : memref<1x128xf32, #tpu.memory_space<vmem>>, vector<1x128xf32>
    %mul3A_124 = vector.broadcast %get3A_123 : vector<1x128xf32> to vector<4096x128xf32>
    %mul3A_125 = arith.mulf %div3A_120, %mul3A_124 : vector<4096x128xf32>
    %get3A_126 = arith.constant 0 : index
    %get3A_127 = arith.constant 0 : index
    %get3A_128 = vector.load %arg18[%get3A_126, %get3A_127] : memref<1x128xf32, #tpu.memory_space<vmem>>, vector<1x128xf32>
    %add3A_129 = vector.broadcast %get3A_128 : vector<1x128xf32> to vector<4096x128xf32>
    %add3A_130 = arith.addf %mul3A_125, %add3A_129 : vector<4096x128xf32>
    %max3A_131 = arith.constant 0.000000e+00 : f32
    %max3A_132 = vector.broadcast %max3A_131 : f32 to vector<4096x128xf32>
    %max3A_133 = arith.maximumf %add3A_130, %max3A_132 : vector<4096x128xf32>
    %get3A_134 = arith.constant 0 : index
    %get3A_135 = arith.constant 0 : index
    %get3A_136 = vector.load %arg19[%get3A_134, %get3A_135] : memref<128x128xf32, #tpu.memory_space<vmem>>, vector<128x128xf32>
    %dot_general3A_137 = arith.constant dense<0.000000e+00> : vector<4096x128xf32>
    %dot_general3A_138 = tpu.matmul %max3A_133, %get3A_136, %dot_general3A_137 {dimension_numbers = #tpu.dot_dimension_numbers<[1], [1], [0], [0], [0, 0, 1, 0], [], []>, transpose_lhs_hint = false} : vector<4096x128xf32>, vector<128x128xf32>, vector<4096x128xf32> -> vector<4096x128xf32>
    %get3A_139 = arith.constant 0 : index
    %get3A_140 = arith.constant 0 : index
    %get3A_141 = vector.load %arg20[%get3A_139, %get3A_140] : memref<1x128xf32, #tpu.memory_space<vmem>>, vector<1x128xf32>
    %add3A_142 = vector.broadcast %get3A_141 : vector<1x128xf32> to vector<4096x128xf32>
    %add3A_143 = arith.addf %dot_general3A_138, %add3A_142 : vector<4096x128xf32>
    %eq3A = arith.constant 0 : i32
    %eq3A_144 = arith.cmpi eq, %arg0, %eq3A : i32
    %eq3A_145 = arith.constant 0 : i32
    %eq3A_146 = arith.cmpi eq, %arg1, %eq3A_145 : i32
    %and3A = arith.andi %eq3A_144, %eq3A_146 : i1
    %convert_element_type3A = arith.extui %and3A : i1 to i32
    %cond3A = arith.constant 0 : i32
    %cond3A_147 = arith.cmpi ne, %convert_element_type3A, %cond3A : i32
    scf.if %cond3A_147 {
      %broadcast_in_dim3A_175 = arith.constant 0.000000e+00 : f32
      %broadcast_in_dim3A_176 = vector.broadcast %broadcast_in_dim3A_175 : f32 to vector<8x128xf32>
      %swap3A_177 = arith.constant 0 : index
      %swap3A_178 = arith.constant 0 : index
      %swap3A_179 = vector.load %arg21[%swap3A_177, %swap3A_178] : memref<8x128xf32, #tpu.memory_space<vmem>>, vector<8x128xf32>
      tpu.vector_store %arg21[%swap3A_177, %swap3A_178], %broadcast_in_dim3A_176 {strides = array<i32>} : memref<8x128xf32, #tpu.memory_space<vmem>>, vector<8x128xf32>,
    } else {
    }
    %get3A_148 = arith.constant 0 : index
    %get3A_149 = arith.constant 0 : index
    %get3A_150 = vector.load %arg21[%get3A_148, %get3A_149] : memref<8x128xf32, #tpu.memory_space<vmem>>, vector<1x128xf32>
    %reduce_sum3A = arith.constant dense<0.000000e+00> : vector<128xf32>
    %reduce_sum3A_151 = vector.multi_reduction <add>, %add3A_143, %reduce_sum3A [0] : vector<4096x128xf32> to vector<128xf32>
    %broadcast_in_dim3A = vector.shape_cast %reduce_sum3A_151 : vector<128xf32> to vector<1x128xf32>
    %add3A_152 = arith.addf %get3A_150, %broadcast_in_dim3A : vector<1x128xf32>
    %swap3A = arith.constant 0 : index
    %swap3A_153 = arith.constant 0 : index
    %swap3A_154 = vector.load %arg21[%swap3A, %swap3A_153] : memref<8x128xf32, #tpu.memory_space<vmem>>, vector<1x128xf32>
    tpu.vector_store %arg21[%swap3A, %swap3A_153], %add3A_152 {strides = array<i32>} : memref<8x128xf32, #tpu.memory_space<vmem>>, vector<1x128xf32>,
    %get3A_155 = arith.constant 1 : index
    %get3A_156 = arith.constant 0 : index
    %get3A_157 = vector.load %arg21[%get3A_155, %get3A_156] : memref<8x128xf32, #tpu.memory_space<vmem>>, vector<1x128xf32>
    %mul3A_158 = arith.mulf %add3A_143, %add3A_143 : vector<4096x128xf32>
    %reduce_sum3A_159 = arith.constant dense<0.000000e+00> : vector<128xf32>
    %reduce_sum3A_160 = vector.multi_reduction <add>, %mul3A_158, %reduce_sum3A_159 [0] : vector<4096x128xf32> to vector<128xf32>
    %broadcast_in_dim3A_161 = vector.shape_cast %reduce_sum3A_160 : vector<128xf32> to vector<1x128xf32>
    %add3A_162 = arith.addf %get3A_157, %broadcast_in_dim3A_161 : vector<1x128xf32>
    %swap3A_163 = arith.constant 1 : index
    %swap3A_164 = arith.constant 0 : index
    %swap3A_165 = vector.load %arg21[%swap3A_163, %swap3A_164] : memref<8x128xf32, #tpu.memory_space<vmem>>, vector<1x128xf32>
    tpu.vector_store %arg21[%swap3A_163, %swap3A_164], %add3A_162 {strides = array<i32>} : memref<8x128xf32, #tpu.memory_space<vmem>>, vector<1x128xf32>,
    %eq3A_166 = arith.constant 0 : i32
    %eq3A_167 = arith.cmpi eq, %arg1, %eq3A_166 : i32
    %convert_element_type3A_168 = arith.extui %eq3A_167 : i1 to i32
    %cond3A_169 = arith.constant 0 : i32
    %cond3A_170 = arith.cmpi ne, %convert_element_type3A_168, %cond3A_169 : i32
    scf.if %cond3A_170 {
      %swap3A_175 = arith.constant 0 : index
      %swap3A_176 = arith.constant 0 : index
      %swap3A_177 = vector.load %arg22[%swap3A_175, %swap3A_176] : memref<4096x128xf32, #tpu.memory_space<vmem>>, vector<4096x128xf32>
      tpu.vector_store %arg22[%swap3A_175, %swap3A_176], %add3A_143 {strides = array<i32>} : memref<4096x128xf32, #tpu.memory_space<vmem>>, vector<4096x128xf32>,
    } else {
    }
    %ne3A = arith.constant 0 : i32
    %ne3A_171 = arith.cmpi ne, %arg1, %ne3A : i32
    %convert_element_type3A_172 = arith.extui %ne3A_171 : i1 to i32
    %cond3A_173 = arith.constant 0 : i32
    %cond3A_174 = arith.cmpi ne, %convert_element_type3A_172, %cond3A_173 : i32
    scf.if %cond3A_174 {
      %get3A_175 = arith.constant 0 : index
      %get3A_176 = arith.constant 0 : index
      %get3A_177 = vector.load %arg22[%get3A_175, %get3A_176] : memref<4096x128xf32, #tpu.memory_space<vmem>>, vector<4096x128xf32>
      %max3A_178 = arith.maximumf %get3A_177, %add3A_143 : vector<4096x128xf32>
      %swap3A_179 = arith.constant 0 : index
      %swap3A_180 = arith.constant 0 : index
      %swap3A_181 = vector.load %arg22[%swap3A_179, %swap3A_180] : memref<4096x128xf32, #tpu.memory_space<vmem>>, vector<4096x128xf32>
      tpu.vector_store %arg22[%swap3A_179, %swap3A_180], %max3A_178 {strides = array<i32>} : memref<4096x128xf32, #tpu.memory_space<vmem>>, vector<4096x128xf32>,
    } else {
    }
    return
  }
  func.func @transform_0(%arg0: i32, %arg1: i32) -> (i32, i32) {
    %c0_i32 = arith.constant 0 : i32
    %c0_i32_0 = arith.constant 0 : i32
    return %arg0, %c0_i32 : i32, i32
  }
  func.func @transform_1(%arg0: i32, %arg1: i32) -> (i32, i32) {
    %mul3A = arith.constant 4 : i32
    %mul3A_0 = arith.muli %arg1, %mul3A : i32
    %add3A = arith.addi %mul3A_0, %arg0 : i32
    %c0_i32 = arith.constant 0 : i32
    %c0_i32_1 = arith.constant 0 : i32
    return %add3A, %c0_i32 : i32, i32
  }
  func.func @transform_2(%arg0: i32, %arg1: i32) -> (i32, i32) {
    %c0_i32 = arith.constant 0 : i32
    %c0_i32_0 = arith.constant 0 : i32
    %c0_i32_1 = arith.constant 0 : i32
    return %c0_i32, %c0_i32_0 : i32, i32
  }
  func.func @transform_3(%arg0: i32, %arg1: i32) -> (i32, i32) {
    %c0_i32 = arith.constant 0 : i32
    %c0_i32_0 = arith.constant 0 : i32
    %c0_i32_1 = arith.constant 0 : i32
    return %c0_i32, %c0_i32_0 : i32, i32
  }
  func.func @transform_4(%arg0: i32, %arg1: i32) -> (i32, i32) {
    %c0_i32 = arith.constant 0 : i32
    %c0_i32_0 = arith.constant 0 : i32
    %c0_i32_1 = arith.constant 0 : i32
    return %c0_i32, %c0_i32_0 : i32, i32
  }
  func.func @transform_5(%arg0: i32, %arg1: i32) -> (i32, i32) {
    %c0_i32 = arith.constant 0 : i32
    %c0_i32_0 = arith.constant 0 : i32
    %c0_i32_1 = arith.constant 0 : i32
    return %c0_i32, %c0_i32_0 : i32, i32
  }
  func.func @transform_6(%arg0: i32, %arg1: i32) -> (i32, i32) {
    %c0_i32 = arith.constant 0 : i32
    %c0_i32_0 = arith.constant 0 : i32
    %c0_i32_1 = arith.constant 0 : i32
    return %c0_i32, %c0_i32_0 : i32, i32
  }
  func.func @transform_7(%arg0: i32, %arg1: i32) -> (i32, i32) {
    %c0_i32 = arith.constant 0 : i32
    %c0_i32_0 = arith.constant 0 : i32
    %c0_i32_1 = arith.constant 0 : i32
    return %c0_i32, %c0_i32_0 : i32, i32
  }
  func.func @transform_8(%arg0: i32, %arg1: i32) -> (i32, i32) {
    %c0_i32 = arith.constant 0 : i32
    %c0_i32_0 = arith.constant 0 : i32
    %c0_i32_1 = arith.constant 0 : i32
    return %c0_i32, %c0_i32_0 : i32, i32
  }
  func.func @transform_9(%arg0: i32, %arg1: i32) -> (i32, i32) {
    %c0_i32 = arith.constant 0 : i32
    %c0_i32_0 = arith.constant 0 : i32
    %c0_i32_1 = arith.constant 0 : i32
    return %c0_i32, %c0_i32_0 : i32, i32
  }
  func.func @transform_10(%arg0: i32, %arg1: i32) -> (i32, i32) {
    %c0_i32 = arith.constant 0 : i32
    %c0_i32_0 = arith.constant 0 : i32
    %c0_i32_1 = arith.constant 0 : i32
    return %c0_i32, %c0_i32_0 : i32, i32
  }
  func.func @transform_11(%arg0: i32, %arg1: i32) -> (i32, i32) {
    %c0_i32 = arith.constant 0 : i32
    %c0_i32_0 = arith.constant 0 : i32
    %c0_i32_1 = arith.constant 0 : i32
    return %c0_i32, %c0_i32_0 : i32, i32
  }
  func.func @transform_12(%arg0: i32, %arg1: i32) -> (i32, i32) {
    %c0_i32 = arith.constant 0 : i32
    %c0_i32_0 = arith.constant 0 : i32
    %c0_i32_1 = arith.constant 0 : i32
    return %c0_i32, %c0_i32_0 : i32, i32
  }
  func.func @transform_13(%arg0: i32, %arg1: i32) -> (i32, i32) {
    %c0_i32 = arith.constant 0 : i32
    %c0_i32_0 = arith.constant 0 : i32
    %c0_i32_1 = arith.constant 0 : i32
    return %c0_i32, %c0_i32_0 : i32, i32
  }
  func.func @transform_14(%arg0: i32, %arg1: i32) -> (i32, i32) {
    %c0_i32 = arith.constant 0 : i32
    %c0_i32_0 = arith.constant 0 : i32
    %c0_i32_1 = arith.constant 0 : i32
    return %c0_i32, %c0_i32_0 : i32, i32
  }
  func.func @transform_15(%arg0: i32, %arg1: i32) -> (i32, i32) {
    %c0_i32 = arith.constant 0 : i32
    %c0_i32_0 = arith.constant 0 : i32
    %c0_i32_1 = arith.constant 0 : i32
    return %c0_i32, %c0_i32_0 : i32, i32
  }
  func.func @transform_16(%arg0: i32, %arg1: i32) -> (i32, i32) {
    %c0_i32 = arith.constant 0 : i32
    %c0_i32_0 = arith.constant 0 : i32
    %c0_i32_1 = arith.constant 0 : i32
    return %c0_i32, %c0_i32_0 : i32, i32
  }
  func.func @transform_17(%arg0: i32, %arg1: i32) -> (i32, i32) {
    %c0_i32 = arith.constant 0 : i32
    %c0_i32_0 = arith.constant 0 : i32
    %c0_i32_1 = arith.constant 0 : i32
    return %c0_i32, %c0_i32_0 : i32, i32
  }
  func.func @transform_18(%arg0: i32, %arg1: i32) -> (i32, i32) {
    %c0_i32 = arith.constant 0 : i32
    %c0_i32_0 = arith.constant 0 : i32
    %c0_i32_1 = arith.constant 0 : i32
    return %c0_i32, %c0_i32_0 : i32, i32
  }
  func.func @transform_19(%arg0: i32, %arg1: i32) -> (i32, i32) {
    %c0_i32 = arith.constant 0 : i32
    %c0_i32_0 = arith.constant 0 : i32
    %c0_i32_1 = arith.constant 0 : i32
    return %c0_i32, %c0_i32_0 : i32, i32
  }
  func.func @transform_20(%arg0: i32, %arg1: i32) -> (i32, i32) {
    %c0_i32 = arith.constant 0 : i32
    %c0_i32_0 = arith.constant 0 : i32
    return %arg0, %c0_i32 : i32, i32
  }
}

module attributes {stable_mosaic.version = 14 : i64} {
  func.func @_final_body(%arg0: i32, %arg1: i32, %arg2: memref<128x128xf32, #tpu.memory_space<vmem>>, %arg3: memref<8x128xf32, #tpu.memory_space<vmem>>, %arg4: memref<1x128xf32, #tpu.memory_space<vmem>>, %arg5: memref<1x128xf32, #tpu.memory_space<vmem>>, %arg6: memref<1x128x128xf32, #tpu.memory_space<vmem>>) attributes {dimension_semantics = [#tpu.dimension_semantics<arbitrary>, #tpu.dimension_semantics<arbitrary>], iteration_bounds = array<i64: 8, 16>, scalar_prefetch = 0 : i64, scratch_operands = 0 : i64, tpu.core_type = #tpu.core_type<tc>, window_params = [{transform_indices = @transform_0, window_bounds = array<i64: 128, 128>}, {pipeline_mode = #tpu.pipeline_mode<synchronous>, transform_indices = @transform_1, window_bounds = array<i64: 8, 128>}, {pipeline_mode = #tpu.pipeline_mode<synchronous>, transform_indices = @transform_2, window_bounds = array<i64: 1, 128>}, {pipeline_mode = #tpu.pipeline_mode<synchronous>, transform_indices = @transform_3, window_bounds = array<i64: 1, 128>}, {transform_indices = @transform_4, window_bounds = array<i64: 1, 128, 128>}]} {
    %get3A = arith.constant 0 : index
    %get3A_0 = arith.constant 0 : index
    %get3A_1 = vector.load %arg2[%get3A, %get3A_0] : memref<128x128xf32, #tpu.memory_space<vmem>>, vector<128x128xf32>
    %get3A_2 = arith.constant 0 : index
    %get3A_3 = arith.constant 0 : index
    %get3A_4 = vector.load %arg3[%get3A_2, %get3A_3] : memref<8x128xf32, #tpu.memory_space<vmem>>, vector<1x128xf32>
    %div3A = arith.constant 3.276800e+05 : f32
    %div3A_5 = vector.broadcast %div3A : f32 to vector<1x128xf32>
    %div3A_6 = arith.divf %get3A_4, %div3A_5 : vector<1x128xf32>
    %get3A_7 = arith.constant 1 : index
    %get3A_8 = arith.constant 0 : index
    %get3A_9 = vector.load %arg3[%get3A_7, %get3A_8] : memref<8x128xf32, #tpu.memory_space<vmem>>, vector<1x128xf32>
    %div3A_10 = arith.constant 3.276800e+05 : f32
    %div3A_11 = vector.broadcast %div3A_10 : f32 to vector<1x128xf32>
    %div3A_12 = arith.divf %get3A_9, %div3A_11 : vector<1x128xf32>
    %mul3A = arith.mulf %div3A_6, %div3A_6 : vector<1x128xf32>
    %sub3A = arith.subf %div3A_12, %mul3A : vector<1x128xf32>
    %sub3A_13 = vector.broadcast %div3A_6 : vector<1x128xf32> to vector<128x128xf32>
    %sub3A_14 = arith.subf %get3A_1, %sub3A_13 : vector<128x128xf32>
    %add3A = arith.constant 9.99999974E-6 : f32
    %add3A_15 = vector.broadcast %add3A : f32 to vector<1x128xf32>
    %add3A_16 = arith.addf %sub3A, %add3A_15 : vector<1x128xf32>
    %sqrt3A = math.sqrt %add3A_16 : vector<1x128xf32>
    %div3A_17 = vector.broadcast %sqrt3A : vector<1x128xf32> to vector<128x128xf32>
    %div3A_18 = arith.divf %sub3A_14, %div3A_17 : vector<128x128xf32>
    %get3A_19 = arith.constant 0 : index
    %get3A_20 = arith.constant 0 : index
    %get3A_21 = vector.load %arg4[%get3A_19, %get3A_20] : memref<1x128xf32, #tpu.memory_space<vmem>>, vector<1x128xf32>
    %mul3A_22 = vector.broadcast %get3A_21 : vector<1x128xf32> to vector<128x128xf32>
    %mul3A_23 = arith.mulf %div3A_18, %mul3A_22 : vector<128x128xf32>
    %get3A_24 = arith.constant 0 : index
    %get3A_25 = arith.constant 0 : index
    %get3A_26 = vector.load %arg5[%get3A_24, %get3A_25] : memref<1x128xf32, #tpu.memory_space<vmem>>, vector<1x128xf32>
    %add3A_27 = vector.broadcast %get3A_26 : vector<1x128xf32> to vector<128x128xf32>
    %add3A_28 = arith.addf %mul3A_23, %add3A_27 : vector<128x128xf32>
    %transpose3A = tpu.transpose %add3A_28, [1, 0] : vector<128x128xf32> -> vector<128x128xf32>
    %swap3A = arith.constant 0 : index
    %swap3A_29 = arith.constant 0 : index
    %swap3A_30 = arith.constant 0 : index
    %swap3A_31 = vector.load %arg6[%swap3A, %swap3A_29, %swap3A_30] : memref<1x128x128xf32, #tpu.memory_space<vmem>>, vector<1x128x128xf32>
    %swap3A_32 = vector.shape_cast %swap3A_31 : vector<1x128x128xf32> to vector<128x128xf32>
    %swap3A_33 = vector.shape_cast %transpose3A : vector<128x128xf32> to vector<1x128x128xf32>
    tpu.vector_store %arg6[%swap3A, %swap3A_29, %swap3A_30], %swap3A_33 {strides = array<i32>} : memref<1x128x128xf32, #tpu.memory_space<vmem>>, vector<1x128x128xf32>,
    return
  }
  func.func @transform_0(%arg0: i32, %arg1: i32) -> (i32, i32) {
    %mul3A = arith.constant 16 : i32
    %mul3A_0 = arith.muli %arg0, %mul3A : i32
    %add3A = arith.addi %mul3A_0, %arg1 : i32
    %c0_i32 = arith.constant 0 : i32
    %c0_i32_1 = arith.constant 0 : i32
    return %add3A, %c0_i32 : i32, i32
  }
  func.func @transform_1(%arg0: i32, %arg1: i32) -> (i32, i32) {
    %c0_i32 = arith.constant 0 : i32
    %c0_i32_0 = arith.constant 0 : i32
    %c0_i32_1 = arith.constant 0 : i32
    return %c0_i32, %c0_i32_0 : i32, i32
  }
  func.func @transform_2(%arg0: i32, %arg1: i32) -> (i32, i32) {
    %c0_i32 = arith.constant 0 : i32
    %c0_i32_0 = arith.constant 0 : i32
    %c0_i32_1 = arith.constant 0 : i32
    return %c0_i32, %c0_i32_0 : i32, i32
  }
  func.func @transform_3(%arg0: i32, %arg1: i32) -> (i32, i32) {
    %c0_i32 = arith.constant 0 : i32
    %c0_i32_0 = arith.constant 0 : i32
    %c0_i32_1 = arith.constant 0 : i32
    return %c0_i32, %c0_i32_0 : i32, i32
  }
  func.func @transform_4(%arg0: i32, %arg1: i32) -> (i32, i32, i32) {
    %c0_i32 = arith.constant 0 : i32
    %c0_i32_0 = arith.constant 0 : i32
    return %arg0, %c0_i32, %arg1 : i32, i32, i32
  }
}

</mosaic_0001>

<sc_bundles>
// kernel: kernel.9.cloned.1.call-start
scs
__scs_entry_jumppad:
0x0: {  	(pc) =	sbr.rel $0x88, $3  }
0x1: {  	(tag) =	ssettag $0x0;
	lr =	simm.s32 $0x1  }
0x2: {  	[smem:$0x3F90] =	sst lr;
	_ =	strace $0xD0000000  }
0x3: {  	_ = 	snop  }
0x4: {  	_ = 	snop  }
0x5: {  	_ = 	snop  }
0x6: {  	_ = 	snop  }
0x7: {  	_ = 	snop  }
__scs_overlays_trampoline_lowered:
0x8: {  	[smem:$0x3F9F] =	sst s0  }
0x9: {  	[smem:$0x3FA0] =	sst s1  }
0xa: {  	[smem:$0x3FA1] =	sst s2  }
0xb: {  	[smem:$0x3FA2] =	sst s3  }
0xc: {  	[smem:$0x3FA3] =	sst s4  }
0xd: {  	[smem:$0x3FA4] =	sst s5  }
0xe: {  	[smem:$0x3FA5] =	sst s6  }
0xf: {  	[smem:$0x3FA6] =	sst s7  }
0x10: {  	[smem:$0x3FA7] =	sst s8  }
0x11: {  	[smem:$0x3FA8] =	sst s9;
	s0 =	simm.s32 @!p0 $0x0  }
0x12: {  	s1 =	sld [smem:$0x3F8E];
	s0 =	simm.s32 @p0 $0x1  }
0x13: {  	[smem:$0x3FA9] =	sst s0;
	s0 =	simm.s32 @!p1 $0x0  }
0x14: {  	s2 =	sld [smem:$0x3F8D];
	s0 =	simm.s32 @p1 $0x1  }
0x15: {  	[smem:$0x3FAA] =	sst s0;
	s0 =	simm.s32 @!p2 $0x0  }
0x16: {  	s3 =	sld [smem:$0x3FDB];
	s0 =	simm.s32 @p2 $0x1  }
0x17: {  	s4 =	simm.s32 $0x1BF5;
	[smem:$0x3FAC] =	sst s0  }
0x18: {  	s0 =	sld [smem:$0x3F8F];
	_ =	swait.ge [sflag:s4], $0x0  }
0x19: {  	s7 =	sld [smem:$0x3F90]  }
0x1a: {  	s8 =	sadd.s32 $0xFFFFE003, lr  }
0x1b: {  	s9 =	sadd.s32 $0xFFFFFEF7, lr;
	s5 =	simm.s32 $0xFFFFFFFF;
	p2 =	slt.u32 s8, $0xFFFFF086  }
0x1c: {  	p1 =	slt.u32 s9, $0xF7A;
	s5 =	simm.s32 @!p2 $0x0  }
0x1d: {  	s5 =	simm.s32 @p1 $0x1;
	p0 =	seq.s32 s7, s2  }
0x1e: {  	s7 =	smul.u32 @!p0 $0xF7A, s2;
	p2 =	seq.s32 @!p0 s5, $0x0  }
0x1f: {  	s9 =	smul.u32 $0xF7A, s1;
	s8 =	simm.s32 @!p0 $0x1BF5;
	p2 =	por !p2, p0  }
0x20: {  	[sflag:s8] =	ssyncset.s32 @!p0 $0xFFFFF086;
	s6 =	sadd.s32 @!p0 s3, s7;
	s7 =	simm.s32 @!p0 $0x108  }
0x21: {  	s3 =	sadd.s32 s3, s9;
	s6 =	sadd.s32 @!p0 $0x88, s6;
	s7 =	simm.s32 @p2 $0x1082  }
0x22: {  	[simem:s7], [sflag:s8] =	dma.local @!p0 [hbm:s6], $0xF7A  }
0x23: {  	s9 =	sor.u32 $0xD0000000, s2;
	s6 =	simm.s32 $0x108;
	_ =	swait.ge @!p0 [sflag:s8], $0x0  }
0x24: {  	s3 =	sadd.s32 $0x88, s3;
	s6 =	simm.s32 @!p1 $0x1082;
	[sflag:s4] =	ssyncset.s32 $0xFFFFF086  }
0x25: {  	[simem:s6], [sflag:s4] =	dma.local [hbm:s3], $0xF7A  }
0x26: {  	[smem:$0x3F90] =	sst s1;
	(tag) =	ssettag s2;
	_ =	strace s9  }
0x27: {  	s1 =	sld [smem:$0x3FA0]  }
0x28: {  	s2 =	sld [smem:$0x3FA1]  }
0x29: {  	s4 =	sld [smem:$0x3FA3]  }
0x2a: {  	p0 =	seq.s32 s5, $0x0;
	s5 =	sld [smem:$0x3FA4]  }
0x2b: {  	s6 =	sld [smem:$0x3FA5]  }
0x2c: {  	s7 =	sld [smem:$0x3FA6]  }
0x2d: {  	s3 =	simm.s32 $0x108;
	s8 =	sld [smem:$0x3FA7]  }
0x2e: {  	s3 =	simm.s32 @!p0 $0x1082;
	s9 =	sld [smem:$0x3FA8]  }
0x2f: {  	lr =	sadd.s32 s0, s3;
	s0 =	sld [smem:$0x3F9F]  }
0x30: {  	s3 =	sld [smem:$0x3FA2]  }
0x31: {  	[smem:$0x3FAB] =	sst s10  }
0x32: {  	s10 =	sld [smem:$0x3FA9];
	_ =	sdelay $0x3  }
0x33: {  	p0 =	seq.s32 s10, $0x1;
	s10 =	sld [smem:$0x3FAB];
	_ =	sdelay $0x3  }
0x34: {  	[smem:$0x3FAB] =	sst s10  }
0x35: {  	s10 =	sld [smem:$0x3FAA];
	_ =	sdelay $0x3  }
0x36: {  	p1 =	seq.s32 s10, $0x1;
	s10 =	sld [smem:$0x3FAB];
	_ =	sdelay $0x3  }
0x37: {  	[smem:$0x3FAB] =	sst s10  }
0x38: {  	s10 =	sld [smem:$0x3FAC]  }
0x39: {  	_ = 	snop;
	(pc) =	sbr.ind lr, $3  }
0x3a: {  	_ = 	snop  }
0x3b: {  	_ = 	snop  }
0x3c: {  	p2 =	seq.s32 s10, $0x1;
	s10 =	sld [smem:$0x3FAB]  }
0x3d: {  	_ =	shalt  }
0x3e: {  	_ =	shalt  }
0x3f: {  	_ =	shalt  }
0x40: {  	_ =	shalt  }
0x41: {  	_ =	shalt  }
0x42: {  	_ =	shalt  }
0x43: {  	_ =	shalt  }
0x44: {  	_ =	shalt  }
0x45: {  	_ =	shalt  }
0x46: {  	_ =	shalt  }
0x47: {  	_ =	shalt  }
0x48: {  	_ =	shalt  }
0x49: {  	_ =	shalt  }
0x4a: {  	_ =	shalt  }
0x4b: {  	_ =	shalt  }
0x4c: {  	_ =	shalt  }
0x4d: {  	_ =	shalt  }
0x4e: {  	_ =	shalt  }
0x4f: {  	_ =	shalt  }
0x50: {  	_ =	shalt  }
0x51: {  	_ =	shalt  }
0x52: {  	_ =	shalt  }
0x53: {  	_ =	shalt  }
0x54: {  	_ =	shalt  }
0x55: {  	_ =	shalt  }
0x56: {  	_ =	shalt  }
0x57: {  	_ =	shalt  }
0x58: {  	_ =	shalt  }
0x59: {  	_ =	shalt  }
0x5a: {  	_ =	shalt  }
0x5b: {  	_ =	shalt  }
0x5c: {  	_ =	shalt  }
0x5d: {  	_ =	shalt  }
0x5e: {  	_ =	shalt  }
0x5f: {  	_ =	shalt  }
0x60: {  	_ =	shalt  }
0x61: {  	_ =	shalt  }
0x62: {  	_ =	shalt  }
0x63: {  	_ =	shalt  }
0x64: {  	_ =	shalt  }
0x65: {  	_ =	shalt  }
0x66: {  	_ =	shalt  }
0x67: {  	_ =	shalt  }
0x68: {  	_ =	shalt  }
0x69: {  	_ =	shalt  }
0x6a: {  	_ =	shalt  }
0x6b: {  	_ =	shalt  }
0x6c: {  	_ =	shalt  }
0x6d: {  	_ =	shalt  }
0x6e: {  	_ =	shalt  }
0x6f: {  	_ =	shalt  }
0x70: {  	_ =	shalt  }
0x71: {  	_ =	shalt  }
0x72: {  	_ =	shalt  }
0x73: {  	_ =	shalt  }
0x74: {  	_ =	shalt  }
0x75: {  	_ =	shalt  }
0x76: {  	_ =	shalt  }
0x77: {  	_ =	shalt  }
0x78: {  	_ =	shalt  }
0x79: {  	_ =	shalt  }
0x7a: {  	_ =	shalt  }
0x7b: {  	_ =	shalt  }
0x7c: {  	_ =	shalt  }
0x7d: {  	_ =	shalt  }
0x7e: {  	_ =	shalt  }
0x7f: {  	_ =	shalt  }
0x80: {  	_ =	shalt  }
0x81: {  	_ =	shalt  }
0x82: {  	_ =	shalt  }
0x83: {  	_ =	shalt  }
0x84: {  	_ =	shalt  }
0x85: {  	_ =	shalt  }
0x86: {  	_ =	shalt  }
0x87: {  	_ =	shalt  }
.Lfunc_end0:
.L_simem_size_0:
called_computation_lowered:
.L_overlay_start_0:
0x88: {  	s2 =	sld [smem:$0x3FD9]  }
0x89: {  	s3 =	sld [smem:$0x3FFE];
	_ =	sdelay $0x1  }
0x8a: {  	s1 =	srdreg.scid  }
0x8b: {  	s0 =	sand.u32 $0x1, s1  }
0x8c: {  	s17 =	sshll.u32 s0, $0xA;
	s2 =	sadd.s32 s3, s2  }
0x8d: {  	s2 =	sadd.s32 s2, s17  }
0x8e: {  	[smem:$0x3FB7] =	sst s2  }
0x8f: {  	_ = 	snop  }
0x90: {  	s2 =	sld [smem:$0x3FD0];
	(tm) =	ssettm $0x1  }
0x91: {  	s18 =	sld [smem:$0x3FFB];
	_ =	sdelay $0x3  }
0x92: {  	_ =	strace s18  }
0x93: {  	s3 =	sld [smem:$0x3FFC];
	_ =	sdelay $0x3  }
0x94: {  	_ =	strace s3  }
0x95: {  	s3 =	sld [smem:$0x3FFD];
	_ =	sdelay $0x3  }
0x96: {  	_ =	strace s3  }
0x97: {  	_ =	strace $0x8FFFFFFF  }
0x98: {  	s19 =	sld [smem:$0x3FDB];
	_ =	sdelay $0x1  }
0x99: {  	s4 =	simm.s32 $_scs_section_size  }
0x9a: {  	s5 =	simm.s32 $_size__tile_overlayer_lowered;
	s6 =	simm.s32 $_tile_overlayer_lowered  }
0x9b: {  	s22 =	simm.s32 $0x1BFF;
	s21 =	sshll.u32 s6, $0x1;
	s3 =	sadd.s32 s4, s19  }
0x9c: {  	s7 =	simm.s32 $0x0;
	s20 =	sshll.u32 s5, $0x1;
	s5 =	sadd.s32 s21, s3  }
0x9d: {  	[timem:s7], [sflag:s22] =	dma.local [hbm:s5], s20  }
0x9e: {  	_ =	swait.ge [sflag:s22], s20  }
0x9f: {  	s4 =	ssub.s32 $0x0, s20;
	[sflag:s22] =	ssyncset.done $0x0  }
0xa0: {  	[sflag:s22] =	ssyncadd.s32 s4;
	_ =	sdelay $0x1  }
0xa1: {  	s23 =	simm.s32 $0x1B8B  }
0xa2: {  	_ =	swait.ge [sflag:s23], $0x1  }
0xa3: {  	[sflag:s23] =	ssyncset.done $0x0  }
0xa4: {  	s25 =	simm.s32 $0x1B8E;
	s24 =	sld [smem:$0x3FFE];
	[sflag:s23] =	ssyncadd.s32 $0xFFFFFFFF  }
0xa5: {  	s26 =	simm.s32 $execute0_lowered;
	[smem:$0x3FD2] =	sst s25  }
0xa6: {  	s5 =	sshll.u32 s26, $0x1;
	_ =	strace $0x80000046;
	[dreg:$0x1] =	wrdreg $0xFFFFFFFF  }
0xa7: {  	s28 =	simm.s32 $_size_execute0_lowered;
	s3 =	sadd.s32 s3, s5;
	[dreg:$0x0] =	wrdreg $0x0  }
0xa8: {  	s5 =	sshll.u32 s28, $0x1;
	[dreg:$0x2] =	wrdreg s3  }
0xa9: {  	[dreg:$0x3] =	wrdreg s5  }
0xaa: {  	[dreg:$0x4] =	wrdreg $0xC0  }
0xab: {  	_ =	task [dreg:s7], $0x5FFFF  }
0xac: {  	[dreg:$0x1] =	wrdreg $0xFFFFFFFF  }
0xad: {  	[dreg:$0x0] =	wrdreg $0x60  }
0xae: {  	[dreg:$0x2] =	wrdreg s24  }
0xaf: {  	[dreg:$0x3] =	wrdreg s2  }
0xb0: {  	[dreg:$0x4] =	wrdreg $0x9  }
0xb1: {  	_ =	task.clear_ibuf [dreg:s7], $0x5FFFF;
	_ =	strace $0x90000046  }
0xb2: {  	s29 =	simm.s32 $0x9;
	_ =	strace $0x80000048  }
0xb3: {  	_ =	swait.ge [sflag:s29], $0x1  }
0xb4: {  	[sflag:s29] =	ssyncadd.s32 $0xFFFFFFFF  }
0xb5: {  	_ =	strace $0x90000048  }
0xb6: {  	_ =	sfence  }
0xb7: {  	s30 =	sld [smem:$0x0];
	_ =	sdelay $0x2  }
0xb8: {  	s31 =	sshll.u32 s1, $0xD;
	s1 =	sshrl.u32 s1, $0x2  }
0xb9: {  	s3 =	sand.u32 $0x4000, s31;
	s1 =	sadd.s32 s1, s30  }
0xba: {  	s0 =	sor.u32 s3, s0;
	s1 =	sshll.u32 s1, $0x11  }
0xbb: {  	s0 =	sor.u32 s1, s0  }
0xbc: {  	s0 =	sadd.s32 $0x8F2B, s0  }
0xbd: {  	[sflag:s0] =	ssyncadd.remote.s32 $0x1  }
0xbe: {  	_ =	sfence.sel $0xFFFF  }
0xbf: {  	[dreg:$0x0] =	wrdreg $0xFFFFFFFF;
	(pc) =	sbr.abs _section_cstart, $3  }
0xc0: {  	[dreg:$0x1] =	wrdreg $0xFFFFFFFF  }
0xc1: {  	_ =	task.clear_ibuf [dreg:s7], $0x2FFFF;
	_ =	strace $0x9FFFFFFF  }
0xc2: {  	(tm) =	ssettm $0x7FFFFFFF  }
0xc3: {  	_ =	shalt  }
tec
execute0_lowered:
.L_overlay_start_1:
0x0: {  	(tag) =	ssettag $0x1  }
0x1: {  	s1 =	srdreg.scid;
	s0 =	stileid.u32  }
0x2: {  	s14 =	sand.u32 $0x1, s1;
	s26 =	sshll.u32 s0, $0x1  }
0x3: {  	s8 =	rddreg [dreg:$0x0];
	s9 =	sor.u32 s14, s26  }
0x4: {  	s13 =	rddreg [dreg:$0x1];
	s15 =	smul.u32 $0x2800, s9  }
0x5: {  	s2 =	simm.s32 $0x0;
	s1 =	rddreg [dreg:$0x2]  }
0x6: {  	[smem:$0x7FF] =	sst s2;
	s3 =	sshrl.u32 s15, $0x3  }
0x7: {  	_ =	strace $0x80000047;
	s4 =	sadd.s32 s13, s3;
	s3 =	simm.s32 $0x2  }
0x8: {  	[tilespmem:s2], [sflag:$0x2] =	stream.linear.gather [hbm4b:s4+s2], $0xA00, $0x38;
	[tilespmem:$0xAA00] =	vst v63  }
0x9: {  	_ =	swait.ge [sflag:s3], $0xA00  }
0xa: {  	s6 =	simm.s32 $0xA00;
	[sflag:s3] =	ssyncset.done $0x0  }
0xb: {  	s7 =	simm.s32 $0x1;
	s5 =	sadd.s32 $0x2A00, s8;
	[sflag:s3] =	ssyncadd.s32 $0xFFFFF600  }
0xc: {  	[tilespmem:s6], [sflag:$0x1] =	stream.indirect.gather [hbm4b:s5+s6], $0x10, s2, s6, $0xb8;
	[tilespmem:$0xAA00] =	vst v63  }
0xd: {  	s9 =	smul.u32 $0x5000, s9;
	_ =	swait.ge [sflag:s7], $0xA000  }
0xe: {  	s16 =	sadd.s32 $0xAA00, s8;
	[sflag:s7] =	ssyncset.done $0x0  }
0xf: {  	s8 =	sadd.s32 s16, s9;
	[sflag:s7] =	ssyncadd.s32 $0xFFFF6000  }
0x10: {  	[hbm4b:s8+s2] =	stream.linear.scatter [tilespmem:s6], [sflag:$0x2], $0xA000, $0x38;
	[tilespmem:$0xAA00] =	vst v63  }
0x11: {  	s10 =	sadd.s32 $0xA00, s15;
	_ =	swait.ge [sflag:s3], $0xA000  }
0x12: {  	s28 =	sshrl.u32 s10, $0x3;
	[sflag:s3] =	ssyncset.done $0x0  }
0x13: {  	s9 =	sadd.s32 s13, s28;
	[sflag:s3] =	ssyncadd.s32 $0xFFFF6000  }
0x14: {  	[tilespmem:s2], [sflag:$0x2] =	stream.linear.gather [hbm4b:s9+s2], $0xA00, $0x38;
	[tilespmem:$0xAA00] =	vst v63  }
0x15: {  	_ =	swait.ge [sflag:s3], $0xA00  }
0x16: {  	[sflag:s3] =	ssyncset.done $0x0  }
0x17: {  	[sflag:s3] =	ssyncadd.s32 $0xFFFFF600  }
0x18: {  	[tilespmem:s6], [sflag:$0x1] =	stream.indirect.gather [hbm4b:s5+s6], $0x10, s2, s6, $0xb8;
	[tilespmem:$0xAA00] =	vst v63  }
0x19: {  	_ =	swait.ge [sflag:s7], $0xA000  }
0x1a: {  	s10 =	sshll.u32 s10, $0x1;
	[sflag:s7] =	ssyncset.done $0x0  }
0x1b: {  	s10 =	sadd.s32 s16, s10;
	[sflag:s7] =	ssyncadd.s32 $0xFFFF6000  }
0x1c: {  	[hbm4b:s10+s2] =	stream.linear.scatter [tilespmem:s6], [sflag:$0x2], $0xA000, $0x38;
	[tilespmem:$0xAA00] =	vst v63  }
0x1d: {  	s12 =	sadd.s32 $0x1400, s15;
	_ =	swait.ge [sflag:s3], $0xA000  }
0x1e: {  	s11 =	sshrl.u32 s12, $0x3;
	[sflag:s3] =	ssyncset.done $0x0  }
0x1f: {  	s11 =	sadd.s32 s13, s11;
	[sflag:s3] =	ssyncadd.s32 $0xFFFF6000  }
0x20: {  	[tilespmem:s2], [sflag:$0x2] =	stream.linear.gather [hbm4b:s11+s2], $0xA00, $0x38;
	[tilespmem:$0xAA00] =	vst v63  }
0x21: {  	_ =	swait.ge [sflag:s3], $0xA00  }
0x22: {  	[sflag:s3] =	ssyncset.done $0x0  }
0x23: {  	[sflag:s3] =	ssyncadd.s32 $0xFFFFF600  }
0x24: {  	[tilespmem:s6], [sflag:$0x1] =	stream.indirect.gather [hbm4b:s5+s6], $0x10, s2, s6, $0xb8;
	[tilespmem:$0xAA00] =	vst v63  }
0x25: {  	_ =	swait.ge [sflag:s7], $0xA000  }
0x26: {  	s12 =	sshll.u32 s12, $0x1;
	[sflag:s7] =	ssyncset.done $0x0  }
0x27: {  	s12 =	sadd.s32 s16, s12;
	[sflag:s7] =	ssyncadd.s32 $0xFFFF6000  }
0x28: {  	[hbm4b:s12+s2] =	stream.linear.scatter [tilespmem:s6], [sflag:$0x2], $0xA000, $0x38;
	[tilespmem:$0xAA00] =	vst v63  }
0x29: {  	s15 =	sadd.s32 $0x1E00, s15;
	_ =	swait.ge [sflag:s3], $0xA000  }
0x2a: {  	s17 =	sshrl.u32 s15, $0x3;
	[sflag:s3] =	ssyncset.done $0x0  }
0x2b: {  	s14 =	ssub.s32 $0x2, s14;
	s13 =	sadd.s32 s13, s17;
	[sflag:s3] =	ssyncadd.s32 $0xFFFF6000  }
0x2c: {  	[tilespmem:s2], [sflag:$0x2] =	stream.linear.gather [hbm4b:s13+s2], $0xA00, $0x38;
	[tilespmem:$0xAA00] =	vst v63  }
0x2d: {  	s29 =	sshrl.u32 s14, $0x1;
	_ =	swait.ge [sflag:s3], $0xA00  }
0x2e: {  	s17 =	ssub.s32 s14, s29;
	[sflag:s3] =	ssyncset.done $0x0  }
0x2f: {  	s31 =	smax.u32 s17, $0x1;
	[sflag:s3] =	ssyncadd.s32 $0xFFFFF600  }
0x30: {  	[tilespmem:s6], [sflag:$0x1] =	stream.indirect.gather [hbm4b:s5+s6], $0x10, s2, s6, $0xb8;
	[tilespmem:$0xAA00] =	vst v63  }
0x31: {  	p0 =	sne.s32 s31, $0x1;
	_ =	swait.ge [sflag:s7], $0xA000  }
.Ltmp0:
0x32: {  	s30 =	sshll.u32 s15, $0x1;
	[sflag:s7] =	ssyncset.done $0x0;
	(pc) =	sbr.rel @!p0 .LBB2_2-.Ltmp0, $4  }
0x33: {  	s14 =	sadd.s32 s16, s30;
	[sflag:s7] =	ssyncadd.s32 $0xFFFF6000  }
0x34: {  	[hbm4b:s14+s2] =	stream.linear.scatter [tilespmem:s6], [sflag:$0x2], $0xA000, $0x38;
	[tilespmem:$0xAA00] =	vst v63  }
0x35: {  	_ =	swait.ge [sflag:s3], $0xA000  }
0x36: {  	s15 =	sadd.s32 $0xFFFFFFFF, s31;
	[sflag:s3] =	ssyncset.done $0x0  }
.LBB2_1:
0x37: {  	p0 =	sne.s32 s15, $0x1;
	s15 =	sadd.s32 $0xFFFFFFFF, s15;
	[sflag:s3] =	ssyncadd.s32 $0xFFFF6000  }
0x38: {  	[tilespmem:s2], [sflag:$0x2] =	stream.linear.gather [hbm4b:s4+s2], $0xA00, $0x38;
	[tilespmem:$0xAA00] =	vst v63  }
0x39: {  	_ =	swait.ge [sflag:s3], $0xA00  }
0x3a: {  	[sflag:s3] =	ssyncset.done $0x0  }
0x3b: {  	[sflag:s3] =	ssyncadd.s32 $0xFFFFF600  }
0x3c: {  	[tilespmem:s6], [sflag:$0x1] =	stream.indirect.gather [hbm4b:s5+s6], $0x10, s2, s6, $0xb8;
	[tilespmem:$0xAA00] =	vst v63  }
0x3d: {  	_ =	swait.ge [sflag:s7], $0xA000  }
0x3e: {  	[sflag:s7] =	ssyncset.done $0x0  }
0x3f: {  	[sflag:s7] =	ssyncadd.s32 $0xFFFF6000  }
0x40: {  	[hbm4b:s8+s2] =	stream.linear.scatter [tilespmem:s6], [sflag:$0x2], $0xA000, $0x38;
	[tilespmem:$0xAA00] =	vst v63  }
0x41: {  	_ =	swait.ge [sflag:s3], $0xA000  }
0x42: {  	[sflag:s3] =	ssyncset.done $0x0  }
0x43: {  	[sflag:s3] =	ssyncadd.s32 $0xFFFF6000  }
0x44: {  	[tilespmem:s2], [sflag:$0x2] =	stream.linear.gather [hbm4b:s9+s2], $0xA00, $0x38;
	[tilespmem:$0xAA00] =	vst v63  }
0x45: {  	_ =	swait.ge [sflag:s3], $0xA00  }
0x46: {  	[sflag:s3] =	ssyncset.done $0x0  }
0x47: {  	[sflag:s3] =	ssyncadd.s32 $0xFFFFF600  }
0x48: {  	[tilespmem:s6], [sflag:$0x1] =	stream.indirect.gather [hbm4b:s5+s6], $0x10, s2, s6, $0xb8;
	[tilespmem:$0xAA00] =	vst v63  }
0x49: {  	_ =	swait.ge [sflag:s7], $0xA000  }
0x4a: {  	[sflag:s7] =	ssyncset.done $0x0  }
0x4b: {  	[sflag:s7] =	ssyncadd.s32 $0xFFFF6000  }
0x4c: {  	[hbm4b:s10+s2] =	stream.linear.scatter [tilespmem:s6], [sflag:$0x2], $0xA000, $0x38;
	[tilespmem:$0xAA00] =	vst v63  }
0x4d: {  	_ =	swait.ge [sflag:s3], $0xA000  }
0x4e: {  	[sflag:s3] =	ssyncset.done $0x0  }
0x4f: {  	[sflag:s3] =	ssyncadd.s32 $0xFFFF6000  }
0x50: {  	[tilespmem:s2], [sflag:$0x2] =	stream.linear.gather [hbm4b:s11+s2], $0xA00, $0x38;
	[tilespmem:$0xAA00] =	vst v63  }
0x51: {  	_ =	swait.ge [sflag:s3], $0xA00  }
0x52: {  	[sflag:s3] =	ssyncset.done $0x0  }
0x53: {  	[sflag:s3] =	ssyncadd.s32 $0xFFFFF600  }
0x54: {  	[tilespmem:s6], [sflag:$0x1] =	stream.indirect.gather [hbm4b:s5+s6], $0x10, s2, s6, $0xb8;
	[tilespmem:$0xAA00] =	vst v63  }
0x55: {  	_ =	swait.ge [sflag:s7], $0xA000  }
0x56: {  	[sflag:s7] =	ssyncset.done $0x0  }
0x57: {  	[sflag:s7] =	ssyncadd.s32 $0xFFFF6000  }
0x58: {  	[hbm4b:s12+s2] =	stream.linear.scatter [tilespmem:s6], [sflag:$0x2], $0xA000, $0x38;
	[tilespmem:$0xAA00] =	vst v63  }
0x59: {  	_ =	swait.ge [sflag:s3], $0xA000  }
0x5a: {  	[sflag:s3] =	ssyncset.done $0x0  }
0x5b: {  	[sflag:s3] =	ssyncadd.s32 $0xFFFF6000  }
0x5c: {  	[tilespmem:s2], [sflag:$0x2] =	stream.linear.gather [hbm4b:s13+s2], $0xA00, $0x38;
	[tilespmem:$0xAA00] =	vst v63  }
0x5d: {  	_ =	swait.ge [sflag:s3], $0xA00  }
0x5e: {  	[sflag:s3] =	ssyncset.done $0x0  }
0x5f: {  	[sflag:s3] =	ssyncadd.s32 $0xFFFFF600  }
0x60: {  	[tilespmem:s6], [sflag:$0x1] =	stream.indirect.gather [hbm4b:s5+s6], $0x10, s2, s6, $0xb8;
	[tilespmem:$0xAA00] =	vst v63  }
0x61: {  	_ =	swait.ge [sflag:s7], $0xA000  }
.Ltmp1:
0x62: {  	[sflag:s7] =	ssyncset.done $0x0;
	(pc) =	sbr.rel @p0 .LBB2_1-.Ltmp1, $4  }
0x63: {  	[sflag:s7] =	ssyncadd.s32 $0xFFFF6000  }
0x64: {  	[hbm4b:s14+s2] =	stream.linear.scatter [tilespmem:s6], [sflag:$0x2], $0xA000, $0x38;
	[tilespmem:$0xAA00] =	vst v63  }
0x65: {  	_ =	swait.ge [sflag:s3], $0xA000  }
0x66: {  	[sflag:s3] =	ssyncset.done $0x0  }
.LBB2_2:
0x67: {  	[sflag:s3] =	ssyncadd.s32 $0xFFFF6000  }
0x68: {  	_ =	sfence.sel $0x180000  }
0x69: {  	[bflag:$0x0] =	sbarrier.arrive $0xFFFF  }
0x6a: {  	p0 =	sne.s32 s0, $0x0;
	_ =	strace $0x90000047  }
0x6b: {  	s0 =	sadd.s32 @!p0 $0x100000, s1;
	[bflag:$0x2] =	sbarrier.arrive $0xFFFF  }
0x6c: {  	[sflag:s0] =	ssyncadd.tile.s32 @!p0 $0x1;
	_ =	shalt  }
.Lfunc_end2:
_tile_overlayer_lowered:
.L_overlay_start_2:
0x6d: {  	(tag) =	ssettag $0x2  }
0x6e: {  	s0 =	rddreg [dreg:$0x0];
	s2 =	stileid.u32  }
0x6f: {  	s1 =	rddreg [dreg:$0x1];
	p0 =	sne.s32 s2, $0x0  }
0x70: {  	s3 =	rddreg [dreg:$0x2];
	[bflag:$0x3] =	sbarrier.arrive $0xFFFF;
	s2 =	simm.s32 @!p0 $0x1C02  }
0x71: {  	[timem:s3], [sflag:s2] =	dma.local @!p0 [hbm:s0], s1  }
0x72: {  	s0 =	simm.s32 @!p0 $0x2  }
0x73: {  	_ =	swait.ge @!p0 [sflag:s0], s1  }
0x74: {  	s1 =	ssub.s32 @!p0 $0x0, s1;
	[sflag:s0] =	ssyncset.done @!p0 $0x0  }
0x75: {  	[sflag:s0] =	ssyncadd.s32 @!p0 s1  }
0x76: {  	[bflag:$0x3] =	sbarrier.arrive $0xFFFF  }
0x77: {  	_ =	shalt  }

</sc_bundles>
